<compile_context>
chip_gen: v7x
topology: tpu7x:2x2x1
jax: 0.10.2.dev20260603
libtpu: 0.0.44.dev20260713+nightly
codegen_flags: <defaults>
</compile_context>

<pallas_src>
import functools

import jax
import jax.numpy as jnp
from jax import lax
from jax.experimental import pallas as pl
from jax.experimental.pallas import tpu as pltpu
from jax.experimental.pallas import tpu_sc as plsc

_B, _L, _V = 32, 4, 100000
_INVALID = -1
_NBUF = 3


def _scan_body(dt_ref, u_ref, tp_hbm, dp_hbm, q_hbm, rec_ref, acc_ref,
               tp_buf, dp_buf, q_buf, sem):
    b = pl.program_id(0)
    n = pl.num_programs(0)

    def issue(step, slot):
        pltpu.make_async_copy(tp_hbm.at[step, :_L], tp_buf.at[slot],
                              sem.at[slot]).start()
        pltpu.make_async_copy(dp_hbm.at[step], dp_buf.at[slot],
                              sem.at[slot]).start()
        pltpu.make_async_copy(q_hbm.at[step], q_buf.at[slot],
                              sem.at[slot]).start()

    @pl.when(b == 0)
    def _():
        for k in range(_NBUF - 1):
            issue(k, k)

    slot = jax.lax.rem(b, _NBUF)

    @pl.when(b + _NBUF - 1 < n)
    def _():
        issue(b + _NBUF - 1, jax.lax.rem(b + _NBUF - 1, _NBUF))

    pltpu.make_async_copy(tp_hbm.at[b, :_L], tp_buf.at[slot],
                          sem.at[slot]).wait()
    pltpu.make_async_copy(dp_hbm.at[b], dp_buf.at[slot],
                          sem.at[slot]).wait()
    pltpu.make_async_copy(q_hbm.at[b], q_buf.at[slot],
                          sem.at[slot]).wait()

    tpb = tp_buf[slot]
    dpb = dp_buf[slot]
    qb = q_buf[slot]
    ratio = jnp.maximum(tpb - dpb, 0.0) / qb
    m = jnp.max(ratio, axis=1, keepdims=True)
    col = jax.lax.broadcasted_iota(jnp.int32, (_L, _V), 1)
    idx = jnp.min(jnp.where(ratio == m, col, _V), axis=1, keepdims=True)
    rec_ref[0] = idx
    lane = jax.lax.broadcasted_iota(jnp.int32, (1, 128), 1)
    for l in range(_L):
        tok = dt_ref[b, l]
        base = pl.multiple_of((tok // 128) * 128, 128)
        off = tok - base
        dvec = dp_buf[slot, l, pl.ds(base, 128)].reshape(1, 128)
        tvec = tp_buf[slot, l, pl.ds(base, 128)].reshape(1, 128)
        hit = lane == off
        dpat = jnp.sum(jnp.where(hit, dvec, 0.0), axis=1)
        tpat = jnp.sum(jnp.where(hit, tvec, 0.0), axis=1)
        acc_ref[0, l, :] = jnp.where(u_ref[b, l] * dpat <= tpat, 1,
                                     0).astype(jnp.int32)


def _vgather(vec, idx):
    return lax.gather(
        vec, idx[:, None],
        lax.GatherDimensionNumbers(offset_dims=(), collapsed_slice_dims=(0,),
                                   start_index_map=(0,)),
        (1,), mode=lax.GatherScatterMode.PROMISE_IN_BOUNDS)


def _sc_epilogue_body(acc_hbm, dt_hbm, rec_hbm, bonus_hbm, out_hbm,
                      dt_v, rec_v, acc_v, bonus_v, out_v):
    first = (lax.axis_index("c") == 0) & (lax.axis_index("s") == 0)

    @pl.when(first)
    def _():
        pltpu.sync_copy(acc_hbm, acc_v)
        pltpu.sync_copy(dt_hbm, dt_v)
        pltpu.sync_copy(rec_hbm, rec_v)
        pltpu.sync_copy(bonus_hbm, bonus_v)
        iota = lax.iota(jnp.int32, 16)
        one = jnp.full((16,), 1, jnp.int32)
        zero = jnp.full((16,), 0, jnp.int32)
        inval = jnp.full((16,), _INVALID, jnp.int32)
        lvec = jnp.full((16,), _L, jnp.int32)
        l1vec = jnp.full((16,), _L + 1, jnp.int32)
        for c in range(_B * (_L + 1) // 16):
            b0 = (c * 16) // (_L + 1)
            lin = c * 16 + iota
            b = lax.div(lin, l1vec)
            pos = lin - b * l1vec
            relb = b - jnp.full((16,), b0, jnp.int32)
            aw = acc_v[pl.ds(_L * b0, 16)]
            dw = dt_v[pl.ds(_L * b0, 16)]
            rw = rec_v[pl.ds(_L * b0, 16)]
            bw = bonus_v[pl.ds(16 * (b0 // 16), 16)]
            a0 = _vgather(aw, relb * _L)
            a1 = _vgather(aw, relb * _L + 1)
            a2 = _vgather(aw, relb * _L + 2)
            a3 = _vgather(aw, relb * _L + 3)
            nab = a0 * (one + a1 * (one + a2 * (one + a3)))
            dtg = _vgather(dw, jnp.minimum(relb * _L + pos,
                                           jnp.full((16,), 15, jnp.int32)))
            recg = _vgather(
                rw, relb * _L + jnp.minimum(jnp.maximum(nab, zero),
                                            jnp.full((16,), _L - 1,
                                                     jnp.int32)))
            bong = _vgather(bw, b - jnp.full((16,), 16 * (b0 // 16),
                                             jnp.int32))
            rej = jnp.where(nab < lvec, recg, bong)
            o = jnp.where(pos == nab, rej,
                          jnp.where(pos < nab, dtg, inval))
            out_v[pl.ds(c * 16, 16)] = o
        pltpu.sync_copy(out_v, out_hbm)


_sc_epilogue = functools.partial(
    pl.kernel,
    mesh=plsc.VectorSubcoreMesh(core_axis_name="c", subcore_axis_name="s"),
    out_type=jax.ShapeDtypeStruct((_B * (_L + 1),), jnp.int32),
    scratch_types=[
        pltpu.VMEM((_B * _L,), jnp.int32),
        pltpu.VMEM((_B * _L,), jnp.int32),
        pltpu.VMEM((_B * _L,), jnp.int32),
        pltpu.VMEM((_B,), jnp.int32),
        pltpu.VMEM((_B * (_L + 1),), jnp.int32),
    ],
)(_sc_epilogue_body)


def kernel(draft_probs, target_probs, uniform, q, draft_token_ids,
           bonus_token_ids):
    rec, acc = pl.pallas_call(
        _scan_body,
        grid=(_B,),
        in_specs=[
            pl.BlockSpec(memory_space=pltpu.SMEM),
            pl.BlockSpec(memory_space=pltpu.SMEM),
            pl.BlockSpec(memory_space=pl.ANY),
            pl.BlockSpec(memory_space=pl.ANY),
            pl.BlockSpec(memory_space=pl.ANY),
        ],
        out_specs=[
            pl.BlockSpec((1, _L, 1), lambda b: (b, 0, 0)),
            pl.BlockSpec((1, _L, 1), lambda b: (b, 0, 0)),
        ],
        out_shape=[
            jax.ShapeDtypeStruct((_B, _L, 1), jnp.int32),
            jax.ShapeDtypeStruct((_B, _L, 1), jnp.int32),
        ],
        scratch_shapes=[
            pltpu.VMEM((_NBUF, _L, _V), jnp.float32),
            pltpu.VMEM((_NBUF, _L, _V), jnp.float32),
            pltpu.VMEM((_NBUF, _L, _V), jnp.float32),
            pltpu.SemaphoreType.DMA((_NBUF,)),
        ],
    )(draft_token_ids, uniform, target_probs.reshape(_B, _L + 1, _V),
      draft_probs, q)

    out = _sc_epilogue(acc.reshape(_B * _L),
                       draft_token_ids.reshape(_B * _L),
                       rec.reshape(_B * _L), bonus_token_ids.reshape(_B))
    return out.reshape(_B, _L + 1)

# --- scband reference (transcript-rebuilt; emitter-appended) ---
"""Pipeline reference for scband-rejection-sampler-14181982011752 (READ-ONLY COPY).

The authoritative reference and input builder live on the scoring server;
editing this copy changes nothing except your own understanding.
"""

import jax, jax.numpy as jnp
import numpy as np

B, L, V = 32, 4, 100000
INVALID = -1

def setup_inputs(seed: int = 0):
    key = jax.random.key(seed)
    k1, k2, k3, k4, k5, k6 = jax.random.split(key, 6)
    draft_probs = jax.random.uniform(k1, (B, L, V), dtype=jnp.float32)
    draft_probs = draft_probs / draft_probs.sum(-1, keepdims=True)
    target_probs = jax.random.uniform(k2, (B * (L + 1), V), dtype=jnp.float32)
    target_probs = target_probs / target_probs.sum(-1, keepdims=True)
    uniform = jax.random.uniform(k3, (B, L), dtype=jnp.float32)
    q = -jnp.log(jax.random.uniform(k4, (B, L, V), dtype=jnp.float32) + 1e-10)
    draft_token_ids = jax.random.randint(k5, (B, L), 0, V, dtype=jnp.int32)
    bonus_token_ids = jax.random.randint(k6, (B, 1), 0, V, dtype=jnp.int32)
    return {"draft_probs": draft_probs, "target_probs": target_probs, "uniform": uniform, "q": q, "draft_token_ids": draft_token_ids, "bonus_token_ids": bonus_token_ids}

def reference(draft_probs, target_probs, uniform, q, draft_token_ids, bonus_token_ids):
    tp = target_probs.reshape(B, L + 1, V)
    dt = draft_token_ids
    # gather draft and target probabilities at the draft token ids
    draft_p = jnp.take_along_axis(draft_probs, dt[..., None], axis=2)[..., 0]
    target_p = jnp.take_along_axis(tp[:, :L], dt[..., None], axis=2)[..., 0]
    # accept token i if u_i * p_draft <= p_target
    accept = uniform * draft_p <= target_p
    # recovered distribution: normalize(max(target - draft, 0))
    recovered = jnp.clip(tp[:, :L] - draft_probs, 0.0)
    recovered = recovered / jnp.clip(recovered.sum(-1, keepdims=True), 1e-10)
    # exponential-noise sampling (probs/q argmax) == categorical sample
    rec_tokens = jnp.argmax(recovered / q, axis=-1).astype(dt.dtype)
    prefix = jnp.cumprod(accept.astype(jnp.int32), axis=1)
    num_accepted = prefix.sum(axis=1)
    pos = jnp.arange(L + 1)[None, :]
    dt_ext = jnp.concatenate([dt, jnp.zeros((B, 1), dtype=dt.dtype)], axis=1)
    out = jnp.where(pos < num_accepted[:, None], dt_ext, INVALID)
    rec_at = jnp.take_along_axis(rec_tokens, jnp.clip(num_accepted, 0, L - 1)[:, None], axis=1)
    rej_val = jnp.where(num_accepted[:, None] < L, rec_at, bonus_token_ids.astype(dt.dtype))
    out = jnp.where(pos == num_accepted[:, None], rej_val, out)
    return out

if __name__ == "__main__":
    import jax
    _d = setup_inputs()
    print(jax.jit(kernel)(*tuple(_d.values())))

</pallas_src>

<mosaic_0001>
#map = affine_map<(d0, d1) -> (0)>
module attributes {stable_mosaic.version = 14 : i64} {
  func.func @_sc_epilogue_body(%arg0: i32, %arg1: i32, %arg2: memref<128xi32, #tpu.memory_space<hbm>>, %arg3: memref<128xi32, #tpu.memory_space<hbm>>, %arg4: memref<128xi32, #tpu.memory_space<hbm>>, %arg5: memref<32xi32, #tpu.memory_space<hbm>>, %arg6: memref<160xi32, #tpu.memory_space<hbm>>, %arg7: memref<128xi32, #tpu.memory_space<vmem>>, %arg8: memref<128xi32, #tpu.memory_space<vmem>>, %arg9: memref<128xi32, #tpu.memory_space<vmem>>, %arg10: memref<32xi32, #tpu.memory_space<vmem>>, %arg11: memref<160xi32, #tpu.memory_space<vmem>>) attributes {dimension_semantics = [#tpu.dimension_semantics<core_parallel>, #tpu.dimension_semantics<subcore_parallel>], iteration_bounds = array<i64: 2, 16>, scalar_prefetch = 0 : i64, scratch_operands = 5 : i64, tpu.core_type = #tpu.core_type<sc_vector_subcore>, window_params = [{transform_indices = #map}, {transform_indices = #map}, {transform_indices = #map}, {transform_indices = #map}, {transform_indices = #map}]} {
    %eq3A = arith.constant 0 : i32
    %eq3A_0 = arith.cmpi eq, %arg0, %eq3A : i32
    %eq3A_1 = arith.constant 0 : i32
    %eq3A_2 = arith.cmpi eq, %arg1, %eq3A_1 : i32
    %and3A = arith.andi %eq3A_0, %eq3A_2 : i1
    %convert_element_type3A = arith.extui %and3A : i1 to i32
    %cond3A = arith.constant 0 : i32
    %cond3A_3 = arith.cmpi ne, %convert_element_type3A, %cond3A : i32
    scf.if %cond3A_3 {
      "tpu.region"() ({
        %run_scoped3A = tpu.sem_alloc : memref<!tpu.dma_semaphore, #tpu.memory_space<semaphore_mem>>
        tpu.enqueue_dma source(%arg2 : memref<128xi32, #tpu.memory_space<hbm>>) target(%arg9 : memref<128xi32, #tpu.memory_space<vmem>>) target_semaphore(%run_scoped3A : memref<!tpu.dma_semaphore, #tpu.memory_space<semaphore_mem>>)
        tpu.wait_dma2 semaphore(%run_scoped3A : memref<!tpu.dma_semaphore, #tpu.memory_space<semaphore_mem>>) src(%arg2 : memref<128xi32, #tpu.memory_space<hbm>>) dst(%arg9 : memref<128xi32, #tpu.memory_space<vmem>>)
        tpu.yield
      }) : () -> ()
      "tpu.region"() ({
        %run_scoped3A = tpu.sem_alloc : memref<!tpu.dma_semaphore, #tpu.memory_space<semaphore_mem>>
        tpu.enqueue_dma source(%arg3 : memref<128xi32, #tpu.memory_space<hbm>>) target(%arg7 : memref<128xi32, #tpu.memory_space<vmem>>) target_semaphore(%run_scoped3A : memref<!tpu.dma_semaphore, #tpu.memory_space<semaphore_mem>>)
        tpu.wait_dma2 semaphore(%run_scoped3A : memref<!tpu.dma_semaphore, #tpu.memory_space<semaphore_mem>>) src(%arg3 : memref<128xi32, #tpu.memory_space<hbm>>) dst(%arg7 : memref<128xi32, #tpu.memory_space<vmem>>)
        tpu.yield
      }) : () -> ()
      "tpu.region"() ({
        %run_scoped3A = tpu.sem_alloc : memref<!tpu.dma_semaphore, #tpu.memory_space<semaphore_mem>>
        tpu.enqueue_dma source(%arg4 : memref<128xi32, #tpu.memory_space<hbm>>) target(%arg8 : memref<128xi32, #tpu.memory_space<vmem>>) target_semaphore(%run_scoped3A : memref<!tpu.dma_semaphore, #tpu.memory_space<semaphore_mem>>)
        tpu.wait_dma2 semaphore(%run_scoped3A : memref<!tpu.dma_semaphore, #tpu.memory_space<semaphore_mem>>) src(%arg4 : memref<128xi32, #tpu.memory_space<hbm>>) dst(%arg8 : memref<128xi32, #tpu.memory_space<vmem>>)
        tpu.yield
      }) : () -> ()
      "tpu.region"() ({
        %run_scoped3A = tpu.sem_alloc : memref<!tpu.dma_semaphore, #tpu.memory_space<semaphore_mem>>
        tpu.enqueue_dma source(%arg5 : memref<32xi32, #tpu.memory_space<hbm>>) target(%arg10 : memref<32xi32, #tpu.memory_space<vmem>>) target_semaphore(%run_scoped3A : memref<!tpu.dma_semaphore, #tpu.memory_space<semaphore_mem>>)
        tpu.wait_dma2 semaphore(%run_scoped3A : memref<!tpu.dma_semaphore, #tpu.memory_space<semaphore_mem>>) src(%arg5 : memref<32xi32, #tpu.memory_space<hbm>>) dst(%arg10 : memref<32xi32, #tpu.memory_space<vmem>>)
        tpu.yield
      }) : () -> ()
      %iota3A = tpu.iota {dimensions = array<i32: 0>} : vector<16xi32>
      %broadcast_in_dim3A = arith.constant 1 : i32
      %broadcast_in_dim3A_4 = vector.broadcast %broadcast_in_dim3A : i32 to vector<16xi32>
      %broadcast_in_dim3A_5 = arith.constant 0 : i32
      %broadcast_in_dim3A_6 = vector.broadcast %broadcast_in_dim3A_5 : i32 to vector<16xi32>
      %broadcast_in_dim3A_7 = arith.constant -1 : i32
      %broadcast_in_dim3A_8 = vector.broadcast %broadcast_in_dim3A_7 : i32 to vector<16xi32>
      %broadcast_in_dim3A_9 = arith.constant 4 : i32
      %broadcast_in_dim3A_10 = vector.broadcast %broadcast_in_dim3A_9 : i32 to vector<16xi32>
      %broadcast_in_dim3A_11 = arith.constant 5 : i32
      %broadcast_in_dim3A_12 = vector.broadcast %broadcast_in_dim3A_11 : i32 to vector<16xi32>
      %add3A = arith.constant 0 : i32
      %add3A_13 = vector.broadcast %add3A : i32 to vector<16xi32>
      %add3A_14 = arith.addi %add3A_13, %iota3A : vector<16xi32>
      %div3A = arith.divsi %add3A_14, %broadcast_in_dim3A_12 : vector<16xi32>
      %mul3A = arith.muli %div3A, %broadcast_in_dim3A_12 : vector<16xi32>
      %sub3A = arith.subi %add3A_14, %mul3A : vector<16xi32>
      %broadcast_in_dim3A_15 = arith.constant 0 : i32
      %broadcast_in_dim3A_16 = vector.broadcast %broadcast_in_dim3A_15 : i32 to vector<16xi32>
      %sub3A_17 = arith.subi %div3A, %broadcast_in_dim3A_16 : vector<16xi32>
      %get3A = arith.constant 0 : index
      %get3A_18 = tpu.vector_load %arg9[%get3A] {strides = array<i32>} : memref<128xi32, #tpu.memory_space<vmem>>, vector<16xi32>,
      %get3A_19 = vector.shape_cast %get3A_18 : vector<16xi32> to vector<16xi32>
      %get3A_20 = arith.constant 0 : index
      %get3A_21 = tpu.vector_load %arg7[%get3A_20] {strides = array<i32>} : memref<128xi32, #tpu.memory_space<vmem>>, vector<16xi32>,
      %get3A_22 = vector.shape_cast %get3A_21 : vector<16xi32> to vector<16xi32>
      %get3A_23 = arith.constant 0 : index
      %get3A_24 = tpu.vector_load %arg8[%get3A_23] {strides = array<i32>} : memref<128xi32, #tpu.memory_space<vmem>>, vector<16xi32>,
      %get3A_25 = vector.shape_cast %get3A_24 : vector<16xi32> to vector<16xi32>
      %get3A_26 = arith.constant 0 : index
      %get3A_27 = tpu.vector_load %arg10[%get3A_26] {strides = array<i32>} : memref<32xi32, #tpu.memory_space<vmem>>, vector<16xi32>,
      %get3A_28 = vector.shape_cast %get3A_27 : vector<16xi32> to vector<16xi32>
      %mul3A_29 = arith.constant 4 : i32
      %mul3A_30 = vector.broadcast %mul3A_29 : i32 to vector<16xi32>
      %mul3A_31 = arith.muli %sub3A_17, %mul3A_30 : vector<16xi32>
      %broadcast_in_dim3A_32 = vector.shape_cast %mul3A_31 : vector<16xi32> to vector<16x1xi32>
      %gather3A = vector.shape_cast %broadcast_in_dim3A_32 : vector<16x1xi32> to vector<16xi32>
      %gather3A_33 = tpu.dynamic_gather %get3A_19[%gather3A] in [0] : vector<16xi32>, vector<16xi32> -> vector<16xi32>
      %mul3A_34 = arith.constant 4 : i32
      %mul3A_35 = vector.broadcast %mul3A_34 : i32 to vector<16xi32>
      %mul3A_36 = arith.muli %sub3A_17, %mul3A_35 : vector<16xi32>
      %add3A_37 = arith.constant 1 : i32
      %add3A_38 = vector.broadcast %add3A_37 : i32 to vector<16xi32>
      %add3A_39 = arith.addi %mul3A_36, %add3A_38 : vector<16xi32>
      %broadcast_in_dim3A_40 = vector.shape_cast %add3A_39 : vector<16xi32> to vector<16x1xi32>
      %gather3A_41 = vector.shape_cast %broadcast_in_dim3A_40 : vector<16x1xi32> to vector<16xi32>
      %gather3A_42 = tpu.dynamic_gather %get3A_19[%gather3A_41] in [0] : vector<16xi32>, vector<16xi32> -> vector<16xi32>
      %mul3A_43 = arith.constant 4 : i32
      %mul3A_44 = vector.broadcast %mul3A_43 : i32 to vector<16xi32>
      %mul3A_45 = arith.muli %sub3A_17, %mul3A_44 : vector<16xi32>
      %add3A_46 = arith.constant 2 : i32
      %add3A_47 = vector.broadcast %add3A_46 : i32 to vector<16xi32>
      %add3A_48 = arith.addi %mul3A_45, %add3A_47 : vector<16xi32>
      %broadcast_in_dim3A_49 = vector.shape_cast %add3A_48 : vector<16xi32> to vector<16x1xi32>
      %gather3A_50 = vector.shape_cast %broadcast_in_dim3A_49 : vector<16x1xi32> to vector<16xi32>
      %gather3A_51 = tpu.dynamic_gather %get3A_19[%gather3A_50] in [0] : vector<16xi32>, vector<16xi32> -> vector<16xi32>
      %mul3A_52 = arith.constant 4 : i32
      %mul3A_53 = vector.broadcast %mul3A_52 : i32 to vector<16xi32>
      %mul3A_54 = arith.muli %sub3A_17, %mul3A_53 : vector<16xi32>
      %add3A_55 = arith.constant 3 : i32
      %add3A_56 = vector.broadcast %add3A_55 : i32 to vector<16xi32>
      %add3A_57 = arith.addi %mul3A_54, %add3A_56 : vector<16xi32>
      %broadcast_in_dim3A_58 = vector.shape_cast %add3A_57 : vector<16xi32> to vector<16x1xi32>
      %gather3A_59 = vector.shape_cast %broadcast_in_dim3A_58 : vector<16x1xi32> to vector<16xi32>
      %gather3A_60 = tpu.dynamic_gather %get3A_19[%gather3A_59] in [0] : vector<16xi32>, vector<16xi32> -> vector<16xi32>
      %add3A_61 = arith.addi %broadcast_in_dim3A_4, %gather3A_60 : vector<16xi32>
      %mul3A_62 = arith.muli %gather3A_51, %add3A_61 : vector<16xi32>
      %add3A_63 = arith.addi %broadcast_in_dim3A_4, %mul3A_62 : vector<16xi32>
      %mul3A_64 = arith.muli %gather3A_42, %add3A_63 : vector<16xi32>
      %add3A_65 = arith.addi %broadcast_in_dim3A_4, %mul3A_64 : vector<16xi32>
      %mul3A_66 = arith.muli %gather3A_33, %add3A_65 : vector<16xi32>
      %mul3A_67 = arith.constant 4 : i32
      %mul3A_68 = vector.broadcast %mul3A_67 : i32 to vector<16xi32>
      %mul3A_69 = arith.muli %sub3A_17, %mul3A_68 : vector<16xi32>
      %add3A_70 = arith.addi %mul3A_69, %sub3A : vector<16xi32>
      %broadcast_in_dim3A_71 = arith.constant 15 : i32
      %broadcast_in_dim3A_72 = vector.broadcast %broadcast_in_dim3A_71 : i32 to vector<16xi32>
      %min3A = arith.minsi %add3A_70, %broadcast_in_dim3A_72 : vector<16xi32>
      %broadcast_in_dim3A_73 = vector.shape_cast %min3A : vector<16xi32> to vector<16x1xi32>
      %gather3A_74 = vector.shape_cast %broadcast_in_dim3A_73 : vector<16x1xi32> to vector<16xi32>
      %gather3A_75 = tpu.dynamic_gather %get3A_22[%gather3A_74] in [0] : vector<16xi32>, vector<16xi32> -> vector<16xi32>
      %mul3A_76 = arith.constant 4 : i32
      %mul3A_77 = vector.broadcast %mul3A_76 : i32 to vector<16xi32>
      %mul3A_78 = arith.muli %sub3A_17, %mul3A_77 : vector<16xi32>
      %max3A = arith.maxsi %mul3A_66, %broadcast_in_dim3A_6 : vector<16xi32>
      %broadcast_in_dim3A_79 = arith.constant 3 : i32
      %broadcast_in_dim3A_80 = vector.broadcast %broadcast_in_dim3A_79 : i32 to vector<16xi32>
      %min3A_81 = arith.minsi %max3A, %broadcast_in_dim3A_80 : vector<16xi32>
      %add3A_82 = arith.addi %mul3A_78, %min3A_81 : vector<16xi32>
      %broadcast_in_dim3A_83 = vector.shape_cast %add3A_82 : vector<16xi32> to vector<16x1xi32>
      %gather3A_84 = vector.shape_cast %broadcast_in_dim3A_83 : vector<16x1xi32> to vector<16xi32>
      %gather3A_85 = tpu.dynamic_gather %get3A_25[%gather3A_84] in [0] : vector<16xi32>, vector<16xi32> -> vector<16xi32>
      %broadcast_in_dim3A_86 = arith.constant 0 : i32
      %broadcast_in_dim3A_87 = vector.broadcast %broadcast_in_dim3A_86 : i32 to vector<16xi32>
      %sub3A_88 = arith.subi %div3A, %broadcast_in_dim3A_87 : vector<16xi32>
      %broadcast_in_dim3A_89 = vector.shape_cast %sub3A_88 : vector<16xi32> to vector<16x1xi32>
      %gather3A_90 = vector.shape_cast %broadcast_in_dim3A_89 : vector<16x1xi32> to vector<16xi32>
      %gather3A_91 = tpu.dynamic_gather %get3A_28[%gather3A_90] in [0] : vector<16xi32>, vector<16xi32> -> vector<16xi32>
      %lt3A = arith.cmpi slt, %mul3A_66, %broadcast_in_dim3A_10 : vector<16xi32>
      %select_n3A = arith.select %lt3A, %gather3A_85, %gather3A_91 : vector<16xi1>, vector<16xi32>
      %eq3A_92 = arith.cmpi eq, %sub3A, %mul3A_66 : vector<16xi32>
      %lt3A_93 = arith.cmpi slt, %sub3A, %mul3A_66 : vector<16xi32>
      %select_n3A_94 = arith.select %lt3A_93, %gather3A_75, %broadcast_in_dim3A_8 : vector<16xi1>, vector<16xi32>
      %select_n3A_95 = arith.select %eq3A_92, %select_n3A, %select_n3A_94 : vector<16xi1>, vector<16xi32>
      %swap3A = arith.constant 0 : index
      %swap3A_96 = tpu.vector_load %arg11[%swap3A] {strides = array<i32>} : memref<160xi32, #tpu.memory_space<vmem>>, vector<16xi32>,
      %swap3A_97 = vector.shape_cast %swap3A_96 : vector<16xi32> to vector<16xi32>
      %swap3A_98 = vector.shape_cast %select_n3A_95 : vector<16xi32> to vector<16xi32>
      tpu.vector_store %arg11[%swap3A], %swap3A_98 {strides = array<i32>} : memref<160xi32, #tpu.memory_space<vmem>>, vector<16xi32>,
      %add3A_99 = arith.constant 16 : i32
      %add3A_100 = vector.broadcast %add3A_99 : i32 to vector<16xi32>
      %add3A_101 = arith.addi %add3A_100, %iota3A : vector<16xi32>
      %div3A_102 = arith.divsi %add3A_101, %broadcast_in_dim3A_12 : vector<16xi32>
      %mul3A_103 = arith.muli %div3A_102, %broadcast_in_dim3A_12 : vector<16xi32>
      %sub3A_104 = arith.subi %add3A_101, %mul3A_103 : vector<16xi32>
      %broadcast_in_dim3A_105 = arith.constant 3 : i32
      %broadcast_in_dim3A_106 = vector.broadcast %broadcast_in_dim3A_105 : i32 to vector<16xi32>
      %sub3A_107 = arith.subi %div3A_102, %broadcast_in_dim3A_106 : vector<16xi32>
      %get3A_108 = arith.constant 12 : index
      %get3A_109 = tpu.vector_load %arg9[%get3A_108] {strides = array<i32>} : memref<128xi32, #tpu.memory_space<vmem>>, vector<16xi32>,
      %get3A_110 = vector.shape_cast %get3A_109 : vector<16xi32> to vector<16xi32>
      %get3A_111 = arith.constant 12 : index
      %get3A_112 = tpu.vector_load %arg7[%get3A_111] {strides = array<i32>} : memref<128xi32, #tpu.memory_space<vmem>>, vector<16xi32>,
      %get3A_113 = vector.shape_cast %get3A_112 : vector<16xi32> to vector<16xi32>
      %get3A_114 = arith.constant 12 : index
      %get3A_115 = tpu.vector_load %arg8[%get3A_114] {strides = array<i32>} : memref<128xi32, #tpu.memory_space<vmem>>, vector<16xi32>,
      %get3A_116 = vector.shape_cast %get3A_115 : vector<16xi32> to vector<16xi32>
      %get3A_117 = arith.constant 0 : index
      %get3A_118 = tpu.vector_load %arg10[%get3A_117] {strides = array<i32>} : memref<32xi32, #tpu.memory_space<vmem>>, vector<16xi32>,
      %get3A_119 = vector.shape_cast %get3A_118 : vector<16xi32> to vector<16xi32>
      %mul3A_120 = arith.constant 4 : i32
      %mul3A_121 = vector.broadcast %mul3A_120 : i32 to vector<16xi32>
      %mul3A_122 = arith.muli %sub3A_107, %mul3A_121 : vector<16xi32>
      %broadcast_in_dim3A_123 = vector.shape_cast %mul3A_122 : vector<16xi32> to vector<16x1xi32>
      %gather3A_124 = vector.shape_cast %broadcast_in_dim3A_123 : vector<16x1xi32> to vector<16xi32>
      %gather3A_125 = tpu.dynamic_gather %get3A_110[%gather3A_124] in [0] : vector<16xi32>, vector<16xi32> -> vector<16xi32>
      %mul3A_126 = arith.constant 4 : i32
      %mul3A_127 = vector.broadcast %mul3A_126 : i32 to vector<16xi32>
      %mul3A_128 = arith.muli %sub3A_107, %mul3A_127 : vector<16xi32>
      %add3A_129 = arith.constant 1 : i32
      %add3A_130 = vector.broadcast %add3A_129 : i32 to vector<16xi32>
      %add3A_131 = arith.addi %mul3A_128, %add3A_130 : vector<16xi32>
      %broadcast_in_dim3A_132 = vector.shape_cast %add3A_131 : vector<16xi32> to vector<16x1xi32>
      %gather3A_133 = vector.shape_cast %broadcast_in_dim3A_132 : vector<16x1xi32> to vector<16xi32>
      %gather3A_134 = tpu.dynamic_gather %get3A_110[%gather3A_133] in [0] : vector<16xi32>, vector<16xi32> -> vector<16xi32>
      %mul3A_135 = arith.constant 4 : i32
      %mul3A_136 = vector.broadcast %mul3A_135 : i32 to vector<16xi32>
      %mul3A_137 = arith.muli %sub3A_107, %mul3A_136 : vector<16xi32>
      %add3A_138 = arith.constant 2 : i32
      %add3A_139 = vector.broadcast %add3A_138 : i32 to vector<16xi32>
      %add3A_140 = arith.addi %mul3A_137, %add3A_139 : vector<16xi32>
      %broadcast_in_dim3A_141 = vector.shape_cast %add3A_140 : vector<16xi32> to vector<16x1xi32>
      %gather3A_142 = vector.shape_cast %broadcast_in_dim3A_141 : vector<16x1xi32> to vector<16xi32>
      %gather3A_143 = tpu.dynamic_gather %get3A_110[%gather3A_142] in [0] : vector<16xi32>, vector<16xi32> -> vector<16xi32>
      %mul3A_144 = arith.constant 4 : i32
      %mul3A_145 = vector.broadcast %mul3A_144 : i32 to vector<16xi32>
      %mul3A_146 = arith.muli %sub3A_107, %mul3A_145 : vector<16xi32>
      %add3A_147 = arith.constant 3 : i32
      %add3A_148 = vector.broadcast %add3A_147 : i32 to vector<16xi32>
      %add3A_149 = arith.addi %mul3A_146, %add3A_148 : vector<16xi32>
      %broadcast_in_dim3A_150 = vector.shape_cast %add3A_149 : vector<16xi32> to vector<16x1xi32>
      %gather3A_151 = vector.shape_cast %broadcast_in_dim3A_150 : vector<16x1xi32> to vector<16xi32>
      %gather3A_152 = tpu.dynamic_gather %get3A_110[%gather3A_151] in [0] : vector<16xi32>, vector<16xi32> -> vector<16xi32>
      %add3A_153 = arith.addi %broadcast_in_dim3A_4, %gather3A_152 : vector<16xi32>
      %mul3A_154 = arith.muli %gather3A_143, %add3A_153 : vector<16xi32>
      %add3A_155 = arith.addi %broadcast_in_dim3A_4, %mul3A_154 : vector<16xi32>
      %mul3A_156 = arith.muli %gather3A_134, %add3A_155 : vector<16xi32>
      %add3A_157 = arith.addi %broadcast_in_dim3A_4, %mul3A_156 : vector<16xi32>
      %mul3A_158 = arith.muli %gather3A_125, %add3A_157 : vector<16xi32>
      %mul3A_159 = arith.constant 4 : i32
      %mul3A_160 = vector.broadcast %mul3A_159 : i32 to vector<16xi32>
      %mul3A_161 = arith.muli %sub3A_107, %mul3A_160 : vector<16xi32>
      %add3A_162 = arith.addi %mul3A_161, %sub3A_104 : vector<16xi32>
      %broadcast_in_dim3A_163 = arith.constant 15 : i32
      %broadcast_in_dim3A_164 = vector.broadcast %broadcast_in_dim3A_163 : i32 to vector<16xi32>
      %min3A_165 = arith.minsi %add3A_162, %broadcast_in_dim3A_164 : vector<16xi32>
      %broadcast_in_dim3A_166 = vector.shape_cast %min3A_165 : vector<16xi32> to vector<16x1xi32>
      %gather3A_167 = vector.shape_cast %broadcast_in_dim3A_166 : vector<16x1xi32> to vector<16xi32>
      %gather3A_168 = tpu.dynamic_gather %get3A_113[%gather3A_167] in [0] : vector<16xi32>, vector<16xi32> -> vector<16xi32>
      %mul3A_169 = arith.constant 4 : i32
      %mul3A_170 = vector.broadcast %mul3A_169 : i32 to vector<16xi32>
      %mul3A_171 = arith.muli %sub3A_107, %mul3A_170 : vector<16xi32>
      %max3A_172 = arith.maxsi %mul3A_158, %broadcast_in_dim3A_6 : vector<16xi32>
      %broadcast_in_dim3A_173 = arith.constant 3 : i32
      %broadcast_in_dim3A_174 = vector.broadcast %broadcast_in_dim3A_173 : i32 to vector<16xi32>
      %min3A_175 = arith.minsi %max3A_172, %broadcast_in_dim3A_174 : vector<16xi32>
      %add3A_176 = arith.addi %mul3A_171, %min3A_175 : vector<16xi32>
      %broadcast_in_dim3A_177 = vector.shape_cast %add3A_176 : vector<16xi32> to vector<16x1xi32>
      %gather3A_178 = vector.shape_cast %broadcast_in_dim3A_177 : vector<16x1xi32> to vector<16xi32>
      %gather3A_179 = tpu.dynamic_gather %get3A_116[%gather3A_178] in [0] : vector<16xi32>, vector<16xi32> -> vector<16xi32>
      %broadcast_in_dim3A_180 = arith.constant 0 : i32
      %broadcast_in_dim3A_181 = vector.broadcast %broadcast_in_dim3A_180 : i32 to vector<16xi32>
      %sub3A_182 = arith.subi %div3A_102, %broadcast_in_dim3A_181 : vector<16xi32>
      %broadcast_in_dim3A_183 = vector.shape_cast %sub3A_182 : vector<16xi32> to vector<16x1xi32>
      %gather3A_184 = vector.shape_cast %broadcast_in_dim3A_183 : vector<16x1xi32> to vector<16xi32>
      %gather3A_185 = tpu.dynamic_gather %get3A_119[%gather3A_184] in [0] : vector<16xi32>, vector<16xi32> -> vector<16xi32>
      %lt3A_186 = arith.cmpi slt, %mul3A_158, %broadcast_in_dim3A_10 : vector<16xi32>
      %select_n3A_187 = arith.select %lt3A_186, %gather3A_179, %gather3A_185 : vector<16xi1>, vector<16xi32>
      %eq3A_188 = arith.cmpi eq, %sub3A_104, %mul3A_158 : vector<16xi32>
      %lt3A_189 = arith.cmpi slt, %sub3A_104, %mul3A_158 : vector<16xi32>
      %select_n3A_190 = arith.select %lt3A_189, %gather3A_168, %broadcast_in_dim3A_8 : vector<16xi1>, vector<16xi32>
      %select_n3A_191 = arith.select %eq3A_188, %select_n3A_187, %select_n3A_190 : vector<16xi1>, vector<16xi32>
      %swap3A_192 = arith.constant 16 : index
      %swap3A_193 = tpu.vector_load %arg11[%swap3A_192] {strides = array<i32>} : memref<160xi32, #tpu.memory_space<vmem>>, vector<16xi32>,
      %swap3A_194 = vector.shape_cast %swap3A_193 : vector<16xi32> to vector<16xi32>
      %swap3A_195 = vector.shape_cast %select_n3A_191 : vector<16xi32> to vector<16xi32>
      tpu.vector_store %arg11[%swap3A_192], %swap3A_195 {strides = array<i32>} : memref<160xi32, #tpu.memory_space<vmem>>, vector<16xi32>,
      %add3A_196 = arith.constant 32 : i32
      %add3A_197 = vector.broadcast %add3A_196 : i32 to vector<16xi32>
      %add3A_198 = arith.addi %add3A_197, %iota3A : vector<16xi32>
      %div3A_199 = arith.divsi %add3A_198, %broadcast_in_dim3A_12 : vector<16xi32>
      %mul3A_200 = arith.muli %div3A_199, %broadcast_in_dim3A_12 : vector<16xi32>
      %sub3A_201 = arith.subi %add3A_198, %mul3A_200 : vector<16xi32>
      %broadcast_in_dim3A_202 = arith.constant 6 : i32
      %broadcast_in_dim3A_203 = vector.broadcast %broadcast_in_dim3A_202 : i32 to vector<16xi32>
      %sub3A_204 = arith.subi %div3A_199, %broadcast_in_dim3A_203 : vector<16xi32>
      %get3A_205 = arith.constant 24 : index
      %get3A_206 = tpu.vector_load %arg9[%get3A_205] {strides = array<i32>} : memref<128xi32, #tpu.memory_space<vmem>>, vector<16xi32>,
      %get3A_207 = vector.shape_cast %get3A_206 : vector<16xi32> to vector<16xi32>
      %get3A_208 = arith.constant 24 : index
      %get3A_209 = tpu.vector_load %arg7[%get3A_208] {strides = array<i32>} : memref<128xi32, #tpu.memory_space<vmem>>, vector<16xi32>,
      %get3A_210 = vector.shape_cast %get3A_209 : vector<16xi32> to vector<16xi32>
      %get3A_211 = arith.constant 24 : index
      %get3A_212 = tpu.vector_load %arg8[%get3A_211] {strides = array<i32>} : memref<128xi32, #tpu.memory_space<vmem>>, vector<16xi32>,
      %get3A_213 = vector.shape_cast %get3A_212 : vector<16xi32> to vector<16xi32>
      %get3A_214 = arith.constant 0 : index
      %get3A_215 = tpu.vector_load %arg10[%get3A_214] {strides = array<i32>} : memref<32xi32, #tpu.memory_space<vmem>>, vector<16xi32>,
      %get3A_216 = vector.shape_cast %get3A_215 : vector<16xi32> to vector<16xi32>
      %mul3A_217 = arith.constant 4 : i32
      %mul3A_218 = vector.broadcast %mul3A_217 : i32 to vector<16xi32>
      %mul3A_219 = arith.muli %sub3A_204, %mul3A_218 : vector<16xi32>
      %broadcast_in_dim3A_220 = vector.shape_cast %mul3A_219 : vector<16xi32> to vector<16x1xi32>
      %gather3A_221 = vector.shape_cast %broadcast_in_dim3A_220 : vector<16x1xi32> to vector<16xi32>
      %gather3A_222 = tpu.dynamic_gather %get3A_207[%gather3A_221] in [0] : vector<16xi32>, vector<16xi32> -> vector<16xi32>
      %mul3A_223 = arith.constant 4 : i32
      %mul3A_224 = vector.broadcast %mul3A_223 : i32 to vector<16xi32>
      %mul3A_225 = arith.muli %sub3A_204, %mul3A_224 : vector<16xi32>
      %add3A_226 = arith.constant 1 : i32
      %add3A_227 = vector.broadcast %add3A_226 : i32 to vector<16xi32>
      %add3A_228 = arith.addi %mul3A_225, %add3A_227 : vector<16xi32>
      %broadcast_in_dim3A_229 = vector.shape_cast %add3A_228 : vector<16xi32> to vector<16x1xi32>
      %gather3A_230 = vector.shape_cast %broadcast_in_dim3A_229 : vector<16x1xi32> to vector<16xi32>
      %gather3A_231 = tpu.dynamic_gather %get3A_207[%gather3A_230] in [0] : vector<16xi32>, vector<16xi32> -> vector<16xi32>
      %mul3A_232 = arith.constant 4 : i32
      %mul3A_233 = vector.broadcast %mul3A_232 : i32 to vector<16xi32>
      %mul3A_234 = arith.muli %sub3A_204, %mul3A_233 : vector<16xi32>
      %add3A_235 = arith.constant 2 : i32
      %add3A_236 = vector.broadcast %add3A_235 : i32 to vector<16xi32>
      %add3A_237 = arith.addi %mul3A_234, %add3A_236 : vector<16xi32>
      %broadcast_in_dim3A_238 = vector.shape_cast %add3A_237 : vector<16xi32> to vector<16x1xi32>
      %gather3A_239 = vector.shape_cast %broadcast_in_dim3A_238 : vector<16x1xi32> to vector<16xi32>
      %gather3A_240 = tpu.dynamic_gather %get3A_207[%gather3A_239] in [0] : vector<16xi32>, vector<16xi32> -> vector<16xi32>
      %mul3A_241 = arith.constant 4 : i32
      %mul3A_242 = vector.broadcast %mul3A_241 : i32 to vector<16xi32>
      %mul3A_243 = arith.muli %sub3A_204, %mul3A_242 : vector<16xi32>
      %add3A_244 = arith.constant 3 : i32
      %add3A_245 = vector.broadcast %add3A_244 : i32 to vector<16xi32>
      %add3A_246 = arith.addi %mul3A_243, %add3A_245 : vector<16xi32>
      %broadcast_in_dim3A_247 = vector.shape_cast %add3A_246 : vector<16xi32> to vector<16x1xi32>
      %gather3A_248 = vector.shape_cast %broadcast_in_dim3A_247 : vector<16x1xi32> to vector<16xi32>
      %gather3A_249 = tpu.dynamic_gather %get3A_207[%gather3A_248] in [0] : vector<16xi32>, vector<16xi32> -> vector<16xi32>
      %add3A_250 = arith.addi %broadcast_in_dim3A_4, %gather3A_249 : vector<16xi32>
      %mul3A_251 = arith.muli %gather3A_240, %add3A_250 : vector<16xi32>
      %add3A_252 = arith.addi %broadcast_in_dim3A_4, %mul3A_251 : vector<16xi32>
      %mul3A_253 = arith.muli %gather3A_231, %add3A_252 : vector<16xi32>
      %add3A_254 = arith.addi %broadcast_in_dim3A_4, %mul3A_253 : vector<16xi32>
      %mul3A_255 = arith.muli %gather3A_222, %add3A_254 : vector<16xi32>
      %mul3A_256 = arith.constant 4 : i32
      %mul3A_257 = vector.broadcast %mul3A_256 : i32 to vector<16xi32>
      %mul3A_258 = arith.muli %sub3A_204, %mul3A_257 : vector<16xi32>
      %add3A_259 = arith.addi %mul3A_258, %sub3A_201 : vector<16xi32>
      %broadcast_in_dim3A_260 = arith.constant 15 : i32
      %broadcast_in_dim3A_261 = vector.broadcast %broadcast_in_dim3A_260 : i32 to vector<16xi32>
      %min3A_262 = arith.minsi %add3A_259, %broadcast_in_dim3A_261 : vector<16xi32>
      %broadcast_in_dim3A_263 = vector.shape_cast %min3A_262 : vector<16xi32> to vector<16x1xi32>
      %gather3A_264 = vector.shape_cast %broadcast_in_dim3A_263 : vector<16x1xi32> to vector<16xi32>
      %gather3A_265 = tpu.dynamic_gather %get3A_210[%gather3A_264] in [0] : vector<16xi32>, vector<16xi32> -> vector<16xi32>
      %mul3A_266 = arith.constant 4 : i32
      %mul3A_267 = vector.broadcast %mul3A_266 : i32 to vector<16xi32>
      %mul3A_268 = arith.muli %sub3A_204, %mul3A_267 : vector<16xi32>
      %max3A_269 = arith.maxsi %mul3A_255, %broadcast_in_dim3A_6 : vector<16xi32>
      %broadcast_in_dim3A_270 = arith.constant 3 : i32
      %broadcast_in_dim3A_271 = vector.broadcast %broadcast_in_dim3A_270 : i32 to vector<16xi32>
      %min3A_272 = arith.minsi %max3A_269, %broadcast_in_dim3A_271 : vector<16xi32>
      %add3A_273 = arith.addi %mul3A_268, %min3A_272 : vector<16xi32>
      %broadcast_in_dim3A_274 = vector.shape_cast %add3A_273 : vector<16xi32> to vector<16x1xi32>
      %gather3A_275 = vector.shape_cast %broadcast_in_dim3A_274 : vector<16x1xi32> to vector<16xi32>
      %gather3A_276 = tpu.dynamic_gather %get3A_213[%gather3A_275] in [0] : vector<16xi32>, vector<16xi32> -> vector<16xi32>
      %broadcast_in_dim3A_277 = arith.constant 0 : i32
      %broadcast_in_dim3A_278 = vector.broadcast %broadcast_in_dim3A_277 : i32 to vector<16xi32>
      %sub3A_279 = arith.subi %div3A_199, %broadcast_in_dim3A_278 : vector<16xi32>
      %broadcast_in_dim3A_280 = vector.shape_cast %sub3A_279 : vector<16xi32> to vector<16x1xi32>
      %gather3A_281 = vector.shape_cast %broadcast_in_dim3A_280 : vector<16x1xi32> to vector<16xi32>
      %gather3A_282 = tpu.dynamic_gather %get3A_216[%gather3A_281] in [0] : vector<16xi32>, vector<16xi32> -> vector<16xi32>
      %lt3A_283 = arith.cmpi slt, %mul3A_255, %broadcast_in_dim3A_10 : vector<16xi32>
      %select_n3A_284 = arith.select %lt3A_283, %gather3A_276, %gather3A_282 : vector<16xi1>, vector<16xi32>
      %eq3A_285 = arith.cmpi eq, %sub3A_201, %mul3A_255 : vector<16xi32>
      %lt3A_286 = arith.cmpi slt, %sub3A_201, %mul3A_255 : vector<16xi32>
      %select_n3A_287 = arith.select %lt3A_286, %gather3A_265, %broadcast_in_dim3A_8 : vector<16xi1>, vector<16xi32>
      %select_n3A_288 = arith.select %eq3A_285, %select_n3A_284, %select_n3A_287 : vector<16xi1>, vector<16xi32>
      %swap3A_289 = arith.constant 32 : index
      %swap3A_290 = tpu.vector_load %arg11[%swap3A_289] {strides = array<i32>} : memref<160xi32, #tpu.memory_space<vmem>>, vector<16xi32>,
      %swap3A_291 = vector.shape_cast %swap3A_290 : vector<16xi32> to vector<16xi32>
      %swap3A_292 = vector.shape_cast %select_n3A_288 : vector<16xi32> to vector<16xi32>
      tpu.vector_store %arg11[%swap3A_289], %swap3A_292 {strides = array<i32>} : memref<160xi32, #tpu.memory_space<vmem>>, vector<16xi32>,
      %add3A_293 = arith.constant 48 : i32
      %add3A_294 = vector.broadcast %add3A_293 : i32 to vector<16xi32>
      %add3A_295 = arith.addi %add3A_294, %iota3A : vector<16xi32>
      %div3A_296 = arith.divsi %add3A_295, %broadcast_in_dim3A_12 : vector<16xi32>
      %mul3A_297 = arith.muli %div3A_296, %broadcast_in_dim3A_12 : vector<16xi32>
      %sub3A_298 = arith.subi %add3A_295, %mul3A_297 : vector<16xi32>
      %broadcast_in_dim3A_299 = arith.constant 9 : i32
      %broadcast_in_dim3A_300 = vector.broadcast %broadcast_in_dim3A_299 : i32 to vector<16xi32>
      %sub3A_301 = arith.subi %div3A_296, %broadcast_in_dim3A_300 : vector<16xi32>
      %get3A_302 = arith.constant 36 : index
      %get3A_303 = tpu.vector_load %arg9[%get3A_302] {strides = array<i32>} : memref<128xi32, #tpu.memory_space<vmem>>, vector<16xi32>,
      %get3A_304 = vector.shape_cast %get3A_303 : vector<16xi32> to vector<16xi32>
      %get3A_305 = arith.constant 36 : index
      %get3A_306 = tpu.vector_load %arg7[%get3A_305] {strides = array<i32>} : memref<128xi32, #tpu.memory_space<vmem>>, vector<16xi32>,
      %get3A_307 = vector.shape_cast %get3A_306 : vector<16xi32> to vector<16xi32>
      %get3A_308 = arith.constant 36 : index
      %get3A_309 = tpu.vector_load %arg8[%get3A_308] {strides = array<i32>} : memref<128xi32, #tpu.memory_space<vmem>>, vector<16xi32>,
      %get3A_310 = vector.shape_cast %get3A_309 : vector<16xi32> to vector<16xi32>
      %get3A_311 = arith.constant 0 : index
      %get3A_312 = tpu.vector_load %arg10[%get3A_311] {strides = array<i32>} : memref<32xi32, #tpu.memory_space<vmem>>, vector<16xi32>,
      %get3A_313 = vector.shape_cast %get3A_312 : vector<16xi32> to vector<16xi32>
      %mul3A_314 = arith.constant 4 : i32
      %mul3A_315 = vector.broadcast %mul3A_314 : i32 to vector<16xi32>
      %mul3A_316 = arith.muli %sub3A_301, %mul3A_315 : vector<16xi32>
      %broadcast_in_dim3A_317 = vector.shape_cast %mul3A_316 : vector<16xi32> to vector<16x1xi32>
      %gather3A_318 = vector.shape_cast %broadcast_in_dim3A_317 : vector<16x1xi32> to vector<16xi32>
      %gather3A_319 = tpu.dynamic_gather %get3A_304[%gather3A_318] in [0] : vector<16xi32>, vector<16xi32> -> vector<16xi32>
      %mul3A_320 = arith.constant 4 : i32
      %mul3A_321 = vector.broadcast %mul3A_320 : i32 to vector<16xi32>
      %mul3A_322 = arith.muli %sub3A_301, %mul3A_321 : vector<16xi32>
      %add3A_323 = arith.constant 1 : i32
      %add3A_324 = vector.broadcast %add3A_323 : i32 to vector<16xi32>
      %add3A_325 = arith.addi %mul3A_322, %add3A_324 : vector<16xi32>
      %broadcast_in_dim3A_326 = vector.shape_cast %add3A_325 : vector<16xi32> to vector<16x1xi32>
      %gather3A_327 = vector.shape_cast %broadcast_in_dim3A_326 : vector<16x1xi32> to vector<16xi32>
      %gather3A_328 = tpu.dynamic_gather %get3A_304[%gather3A_327] in [0] : vector<16xi32>, vector<16xi32> -> vector<16xi32>
      %mul3A_329 = arith.constant 4 : i32
      %mul3A_330 = vector.broadcast %mul3A_329 : i32 to vector<16xi32>
      %mul3A_331 = arith.muli %sub3A_301, %mul3A_330 : vector<16xi32>
      %add3A_332 = arith.constant 2 : i32
      %add3A_333 = vector.broadcast %add3A_332 : i32 to vector<16xi32>
      %add3A_334 = arith.addi %mul3A_331, %add3A_333 : vector<16xi32>
      %broadcast_in_dim3A_335 = vector.shape_cast %add3A_334 : vector<16xi32> to vector<16x1xi32>
      %gather3A_336 = vector.shape_cast %broadcast_in_dim3A_335 : vector<16x1xi32> to vector<16xi32>
      %gather3A_337 = tpu.dynamic_gather %get3A_304[%gather3A_336] in [0] : vector<16xi32>, vector<16xi32> -> vector<16xi32>
      %mul3A_338 = arith.constant 4 : i32
      %mul3A_339 = vector.broadcast %mul3A_338 : i32 to vector<16xi32>
      %mul3A_340 = arith.muli %sub3A_301, %mul3A_339 : vector<16xi32>
      %add3A_341 = arith.constant 3 : i32
      %add3A_342 = vector.broadcast %add3A_341 : i32 to vector<16xi32>
      %add3A_343 = arith.addi %mul3A_340, %add3A_342 : vector<16xi32>
      %broadcast_in_dim3A_344 = vector.shape_cast %add3A_343 : vector<16xi32> to vector<16x1xi32>
      %gather3A_345 = vector.shape_cast %broadcast_in_dim3A_344 : vector<16x1xi32> to vector<16xi32>
      %gather3A_346 = tpu.dynamic_gather %get3A_304[%gather3A_345] in [0] : vector<16xi32>, vector<16xi32> -> vector<16xi32>
      %add3A_347 = arith.addi %broadcast_in_dim3A_4, %gather3A_346 : vector<16xi32>
      %mul3A_348 = arith.muli %gather3A_337, %add3A_347 : vector<16xi32>
      %add3A_349 = arith.addi %broadcast_in_dim3A_4, %mul3A_348 : vector<16xi32>
      %mul3A_350 = arith.muli %gather3A_328, %add3A_349 : vector<16xi32>
      %add3A_351 = arith.addi %broadcast_in_dim3A_4, %mul3A_350 : vector<16xi32>
      %mul3A_352 = arith.muli %gather3A_319, %add3A_351 : vector<16xi32>
      %mul3A_353 = arith.constant 4 : i32
      %mul3A_354 = vector.broadcast %mul3A_353 : i32 to vector<16xi32>
      %mul3A_355 = arith.muli %sub3A_301, %mul3A_354 : vector<16xi32>
      %add3A_356 = arith.addi %mul3A_355, %sub3A_298 : vector<16xi32>
      %broadcast_in_dim3A_357 = arith.constant 15 : i32
      %broadcast_in_dim3A_358 = vector.broadcast %broadcast_in_dim3A_357 : i32 to vector<16xi32>
      %min3A_359 = arith.minsi %add3A_356, %broadcast_in_dim3A_358 : vector<16xi32>
      %broadcast_in_dim3A_360 = vector.shape_cast %min3A_359 : vector<16xi32> to vector<16x1xi32>
      %gather3A_361 = vector.shape_cast %broadcast_in_dim3A_360 : vector<16x1xi32> to vector<16xi32>
      %gather3A_362 = tpu.dynamic_gather %get3A_307[%gather3A_361] in [0] : vector<16xi32>, vector<16xi32> -> vector<16xi32>
      %mul3A_363 = arith.constant 4 : i32
      %mul3A_364 = vector.broadcast %mul3A_363 : i32 to vector<16xi32>
      %mul3A_365 = arith.muli %sub3A_301, %mul3A_364 : vector<16xi32>
      %max3A_366 = arith.maxsi %mul3A_352, %broadcast_in_dim3A_6 : vector<16xi32>
      %broadcast_in_dim3A_367 = arith.constant 3 : i32
      %broadcast_in_dim3A_368 = vector.broadcast %broadcast_in_dim3A_367 : i32 to vector<16xi32>
      %min3A_369 = arith.minsi %max3A_366, %broadcast_in_dim3A_368 : vector<16xi32>
      %add3A_370 = arith.addi %mul3A_365, %min3A_369 : vector<16xi32>
      %broadcast_in_dim3A_371 = vector.shape_cast %add3A_370 : vector<16xi32> to vector<16x1xi32>
      %gather3A_372 = vector.shape_cast %broadcast_in_dim3A_371 : vector<16x1xi32> to vector<16xi32>
      %gather3A_373 = tpu.dynamic_gather %get3A_310[%gather3A_372] in [0] : vector<16xi32>, vector<16xi32> -> vector<16xi32>
      %broadcast_in_dim3A_374 = arith.constant 0 : i32
      %broadcast_in_dim3A_375 = vector.broadcast %broadcast_in_dim3A_374 : i32 to vector<16xi32>
      %sub3A_376 = arith.subi %div3A_296, %broadcast_in_dim3A_375 : vector<16xi32>
      %broadcast_in_dim3A_377 = vector.shape_cast %sub3A_376 : vector<16xi32> to vector<16x1xi32>
      %gather3A_378 = vector.shape_cast %broadcast_in_dim3A_377 : vector<16x1xi32> to vector<16xi32>
      %gather3A_379 = tpu.dynamic_gather %get3A_313[%gather3A_378] in [0] : vector<16xi32>, vector<16xi32> -> vector<16xi32>
      %lt3A_380 = arith.cmpi slt, %mul3A_352, %broadcast_in_dim3A_10 : vector<16xi32>
      %select_n3A_381 = arith.select %lt3A_380, %gather3A_373, %gather3A_379 : vector<16xi1>, vector<16xi32>
      %eq3A_382 = arith.cmpi eq, %sub3A_298, %mul3A_352 : vector<16xi32>
      %lt3A_383 = arith.cmpi slt, %sub3A_298, %mul3A_352 : vector<16xi32>
      %select_n3A_384 = arith.select %lt3A_383, %gather3A_362, %broadcast_in_dim3A_8 : vector<16xi1>, vector<16xi32>
      %select_n3A_385 = arith.select %eq3A_382, %select_n3A_381, %select_n3A_384 : vector<16xi1>, vector<16xi32>
      %swap3A_386 = arith.constant 48 : index
      %swap3A_387 = tpu.vector_load %arg11[%swap3A_386] {strides = array<i32>} : memref<160xi32, #tpu.memory_space<vmem>>, vector<16xi32>,
      %swap3A_388 = vector.shape_cast %swap3A_387 : vector<16xi32> to vector<16xi32>
      %swap3A_389 = vector.shape_cast %select_n3A_385 : vector<16xi32> to vector<16xi32>
      tpu.vector_store %arg11[%swap3A_386], %swap3A_389 {strides = array<i32>} : memref<160xi32, #tpu.memory_space<vmem>>, vector<16xi32>,
      %add3A_390 = arith.constant 64 : i32
      %add3A_391 = vector.broadcast %add3A_390 : i32 to vector<16xi32>
      %add3A_392 = arith.addi %add3A_391, %iota3A : vector<16xi32>
      %div3A_393 = arith.divsi %add3A_392, %broadcast_in_dim3A_12 : vector<16xi32>
      %mul3A_394 = arith.muli %div3A_393, %broadcast_in_dim3A_12 : vector<16xi32>
      %sub3A_395 = arith.subi %add3A_392, %mul3A_394 : vector<16xi32>
      %broadcast_in_dim3A_396 = arith.constant 12 : i32
      %broadcast_in_dim3A_397 = vector.broadcast %broadcast_in_dim3A_396 : i32 to vector<16xi32>
      %sub3A_398 = arith.subi %div3A_393, %broadcast_in_dim3A_397 : vector<16xi32>
      %get3A_399 = arith.constant 48 : index
      %get3A_400 = tpu.vector_load %arg9[%get3A_399] {strides = array<i32>} : memref<128xi32, #tpu.memory_space<vmem>>, vector<16xi32>,
      %get3A_401 = vector.shape_cast %get3A_400 : vector<16xi32> to vector<16xi32>
      %get3A_402 = arith.constant 48 : index
      %get3A_403 = tpu.vector_load %arg7[%get3A_402] {strides = array<i32>} : memref<128xi32, #tpu.memory_space<vmem>>, vector<16xi32>,
      %get3A_404 = vector.shape_cast %get3A_403 : vector<16xi32> to vector<16xi32>
      %get3A_405 = arith.constant 48 : index
      %get3A_406 = tpu.vector_load %arg8[%get3A_405] {strides = array<i32>} : memref<128xi32, #tpu.memory_space<vmem>>, vector<16xi32>,
      %get3A_407 = vector.shape_cast %get3A_406 : vector<16xi32> to vector<16xi32>
      %get3A_408 = arith.constant 0 : index
      %get3A_409 = tpu.vector_load %arg10[%get3A_408] {strides = array<i32>} : memref<32xi32, #tpu.memory_space<vmem>>, vector<16xi32>,
      %get3A_410 = vector.shape_cast %get3A_409 : vector<16xi32> to vector<16xi32>
      %mul3A_411 = arith.constant 4 : i32
      %mul3A_412 = vector.broadcast %mul3A_411 : i32 to vector<16xi32>
      %mul3A_413 = arith.muli %sub3A_398, %mul3A_412 : vector<16xi32>
      %broadcast_in_dim3A_414 = vector.shape_cast %mul3A_413 : vector<16xi32> to vector<16x1xi32>
      %gather3A_415 = vector.shape_cast %broadcast_in_dim3A_414 : vector<16x1xi32> to vector<16xi32>
      %gather3A_416 = tpu.dynamic_gather %get3A_401[%gather3A_415] in [0] : vector<16xi32>, vector<16xi32> -> vector<16xi32>
      %mul3A_417 = arith.constant 4 : i32
      %mul3A_418 = vector.broadcast %mul3A_417 : i32 to vector<16xi32>
      %mul3A_419 = arith.muli %sub3A_398, %mul3A_418 : vector<16xi32>
      %add3A_420 = arith.constant 1 : i32
      %add3A_421 = vector.broadcast %add3A_420 : i32 to vector<16xi32>
      %add3A_422 = arith.addi %mul3A_419, %add3A_421 : vector<16xi32>
      %broadcast_in_dim3A_423 = vector.shape_cast %add3A_422 : vector<16xi32> to vector<16x1xi32>
      %gather3A_424 = vector.shape_cast %broadcast_in_dim3A_423 : vector<16x1xi32> to vector<16xi32>
      %gather3A_425 = tpu.dynamic_gather %get3A_401[%gather3A_424] in [0] : vector<16xi32>, vector<16xi32> -> vector<16xi32>
      %mul3A_426 = arith.constant 4 : i32
      %mul3A_427 = vector.broadcast %mul3A_426 : i32 to vector<16xi32>
      %mul3A_428 = arith.muli %sub3A_398, %mul3A_427 : vector<16xi32>
      %add3A_429 = arith.constant 2 : i32
      %add3A_430 = vector.broadcast %add3A_429 : i32 to vector<16xi32>
      %add3A_431 = arith.addi %mul3A_428, %add3A_430 : vector<16xi32>
      %broadcast_in_dim3A_432 = vector.shape_cast %add3A_431 : vector<16xi32> to vector<16x1xi32>
      %gather3A_433 = vector.shape_cast %broadcast_in_dim3A_432 : vector<16x1xi32> to vector<16xi32>
      %gather3A_434 = tpu.dynamic_gather %get3A_401[%gather3A_433] in [0] : vector<16xi32>, vector<16xi32> -> vector<16xi32>
      %mul3A_435 = arith.constant 4 : i32
      %mul3A_436 = vector.broadcast %mul3A_435 : i32 to vector<16xi32>
      %mul3A_437 = arith.muli %sub3A_398, %mul3A_436 : vector<16xi32>
      %add3A_438 = arith.constant 3 : i32
      %add3A_439 = vector.broadcast %add3A_438 : i32 to vector<16xi32>
      %add3A_440 = arith.addi %mul3A_437, %add3A_439 : vector<16xi32>
      %broadcast_in_dim3A_441 = vector.shape_cast %add3A_440 : vector<16xi32> to vector<16x1xi32>
      %gather3A_442 = vector.shape_cast %broadcast_in_dim3A_441 : vector<16x1xi32> to vector<16xi32>
      %gather3A_443 = tpu.dynamic_gather %get3A_401[%gather3A_442] in [0] : vector<16xi32>, vector<16xi32> -> vector<16xi32>
      %add3A_444 = arith.addi %broadcast_in_dim3A_4, %gather3A_443 : vector<16xi32>
      %mul3A_445 = arith.muli %gather3A_434, %add3A_444 : vector<16xi32>
      %add3A_446 = arith.addi %broadcast_in_dim3A_4, %mul3A_445 : vector<16xi32>
      %mul3A_447 = arith.muli %gather3A_425, %add3A_446 : vector<16xi32>
      %add3A_448 = arith.addi %broadcast_in_dim3A_4, %mul3A_447 : vector<16xi32>
      %mul3A_449 = arith.muli %gather3A_416, %add3A_448 : vector<16xi32>
      %mul3A_450 = arith.constant 4 : i32
      %mul3A_451 = vector.broadcast %mul3A_450 : i32 to vector<16xi32>
      %mul3A_452 = arith.muli %sub3A_398, %mul3A_451 : vector<16xi32>
      %add3A_453 = arith.addi %mul3A_452, %sub3A_395 : vector<16xi32>
      %broadcast_in_dim3A_454 = arith.constant 15 : i32
      %broadcast_in_dim3A_455 = vector.broadcast %broadcast_in_dim3A_454 : i32 to vector<16xi32>
      %min3A_456 = arith.minsi %add3A_453, %broadcast_in_dim3A_455 : vector<16xi32>
      %broadcast_in_dim3A_457 = vector.shape_cast %min3A_456 : vector<16xi32> to vector<16x1xi32>
      %gather3A_458 = vector.shape_cast %broadcast_in_dim3A_457 : vector<16x1xi32> to vector<16xi32>
      %gather3A_459 = tpu.dynamic_gather %get3A_404[%gather3A_458] in [0] : vector<16xi32>, vector<16xi32> -> vector<16xi32>
      %mul3A_460 = arith.constant 4 : i32
      %mul3A_461 = vector.broadcast %mul3A_460 : i32 to vector<16xi32>
      %mul3A_462 = arith.muli %sub3A_398, %mul3A_461 : vector<16xi32>
      %max3A_463 = arith.maxsi %mul3A_449, %broadcast_in_dim3A_6 : vector<16xi32>
      %broadcast_in_dim3A_464 = arith.constant 3 : i32
      %broadcast_in_dim3A_465 = vector.broadcast %broadcast_in_dim3A_464 : i32 to vector<16xi32>
      %min3A_466 = arith.minsi %max3A_463, %broadcast_in_dim3A_465 : vector<16xi32>
      %add3A_467 = arith.addi %mul3A_462, %min3A_466 : vector<16xi32>
      %broadcast_in_dim3A_468 = vector.shape_cast %add3A_467 : vector<16xi32> to vector<16x1xi32>
      %gather3A_469 = vector.shape_cast %broadcast_in_dim3A_468 : vector<16x1xi32> to vector<16xi32>
      %gather3A_470 = tpu.dynamic_gather %get3A_407[%gather3A_469] in [0] : vector<16xi32>, vector<16xi32> -> vector<16xi32>
      %broadcast_in_dim3A_471 = arith.constant 0 : i32
      %broadcast_in_dim3A_472 = vector.broadcast %broadcast_in_dim3A_471 : i32 to vector<16xi32>
      %sub3A_473 = arith.subi %div3A_393, %broadcast_in_dim3A_472 : vector<16xi32>
      %broadcast_in_dim3A_474 = vector.shape_cast %sub3A_473 : vector<16xi32> to vector<16x1xi32>
      %gather3A_475 = vector.shape_cast %broadcast_in_dim3A_474 : vector<16x1xi32> to vector<16xi32>
      %gather3A_476 = tpu.dynamic_gather %get3A_410[%gather3A_475] in [0] : vector<16xi32>, vector<16xi32> -> vector<16xi32>
      %lt3A_477 = arith.cmpi slt, %mul3A_449, %broadcast_in_dim3A_10 : vector<16xi32>
      %select_n3A_478 = arith.select %lt3A_477, %gather3A_470, %gather3A_476 : vector<16xi1>, vector<16xi32>
      %eq3A_479 = arith.cmpi eq, %sub3A_395, %mul3A_449 : vector<16xi32>
      %lt3A_480 = arith.cmpi slt, %sub3A_395, %mul3A_449 : vector<16xi32>
      %select_n3A_481 = arith.select %lt3A_480, %gather3A_459, %broadcast_in_dim3A_8 : vector<16xi1>, vector<16xi32>
      %select_n3A_482 = arith.select %eq3A_479, %select_n3A_478, %select_n3A_481 : vector<16xi1>, vector<16xi32>
      %swap3A_483 = arith.constant 64 : index
      %swap3A_484 = tpu.vector_load %arg11[%swap3A_483] {strides = array<i32>} : memref<160xi32, #tpu.memory_space<vmem>>, vector<16xi32>,
      %swap3A_485 = vector.shape_cast %swap3A_484 : vector<16xi32> to vector<16xi32>
      %swap3A_486 = vector.shape_cast %select_n3A_482 : vector<16xi32> to vector<16xi32>
      tpu.vector_store %arg11[%swap3A_483], %swap3A_486 {strides = array<i32>} : memref<160xi32, #tpu.memory_space<vmem>>, vector<16xi32>,
      %add3A_487 = arith.constant 80 : i32
      %add3A_488 = vector.broadcast %add3A_487 : i32 to vector<16xi32>
      %add3A_489 = arith.addi %add3A_488, %iota3A : vector<16xi32>
      %div3A_490 = arith.divsi %add3A_489, %broadcast_in_dim3A_12 : vector<16xi32>
      %mul3A_491 = arith.muli %div3A_490, %broadcast_in_dim3A_12 : vector<16xi32>
      %sub3A_492 = arith.subi %add3A_489, %mul3A_491 : vector<16xi32>
      %broadcast_in_dim3A_493 = arith.constant 16 : i32
      %broadcast_in_dim3A_494 = vector.broadcast %broadcast_in_dim3A_493 : i32 to vector<16xi32>
      %sub3A_495 = arith.subi %div3A_490, %broadcast_in_dim3A_494 : vector<16xi32>
      %get3A_496 = arith.constant 64 : index
      %get3A_497 = tpu.vector_load %arg9[%get3A_496] {strides = array<i32>} : memref<128xi32, #tpu.memory_space<vmem>>, vector<16xi32>,
      %get3A_498 = vector.shape_cast %get3A_497 : vector<16xi32> to vector<16xi32>
      %get3A_499 = arith.constant 64 : index
      %get3A_500 = tpu.vector_load %arg7[%get3A_499] {strides = array<i32>} : memref<128xi32, #tpu.memory_space<vmem>>, vector<16xi32>,
      %get3A_501 = vector.shape_cast %get3A_500 : vector<16xi32> to vector<16xi32>
      %get3A_502 = arith.constant 64 : index
      %get3A_503 = tpu.vector_load %arg8[%get3A_502] {strides = array<i32>} : memref<128xi32, #tpu.memory_space<vmem>>, vector<16xi32>,
      %get3A_504 = vector.shape_cast %get3A_503 : vector<16xi32> to vector<16xi32>
      %get3A_505 = arith.constant 16 : index
      %get3A_506 = tpu.vector_load %arg10[%get3A_505] {strides = array<i32>} : memref<32xi32, #tpu.memory_space<vmem>>, vector<16xi32>,
      %get3A_507 = vector.shape_cast %get3A_506 : vector<16xi32> to vector<16xi32>
      %mul3A_508 = arith.constant 4 : i32
      %mul3A_509 = vector.broadcast %mul3A_508 : i32 to vector<16xi32>
      %mul3A_510 = arith.muli %sub3A_495, %mul3A_509 : vector<16xi32>
      %broadcast_in_dim3A_511 = vector.shape_cast %mul3A_510 : vector<16xi32> to vector<16x1xi32>
      %gather3A_512 = vector.shape_cast %broadcast_in_dim3A_511 : vector<16x1xi32> to vector<16xi32>
      %gather3A_513 = tpu.dynamic_gather %get3A_498[%gather3A_512] in [0] : vector<16xi32>, vector<16xi32> -> vector<16xi32>
      %mul3A_514 = arith.constant 4 : i32
      %mul3A_515 = vector.broadcast %mul3A_514 : i32 to vector<16xi32>
      %mul3A_516 = arith.muli %sub3A_495, %mul3A_515 : vector<16xi32>
      %add3A_517 = arith.constant 1 : i32
      %add3A_518 = vector.broadcast %add3A_517 : i32 to vector<16xi32>
      %add3A_519 = arith.addi %mul3A_516, %add3A_518 : vector<16xi32>
      %broadcast_in_dim3A_520 = vector.shape_cast %add3A_519 : vector<16xi32> to vector<16x1xi32>
      %gather3A_521 = vector.shape_cast %broadcast_in_dim3A_520 : vector<16x1xi32> to vector<16xi32>
      %gather3A_522 = tpu.dynamic_gather %get3A_498[%gather3A_521] in [0] : vector<16xi32>, vector<16xi32> -> vector<16xi32>
      %mul3A_523 = arith.constant 4 : i32
      %mul3A_524 = vector.broadcast %mul3A_523 : i32 to vector<16xi32>
      %mul3A_525 = arith.muli %sub3A_495, %mul3A_524 : vector<16xi32>
      %add3A_526 = arith.constant 2 : i32
      %add3A_527 = vector.broadcast %add3A_526 : i32 to vector<16xi32>
      %add3A_528 = arith.addi %mul3A_525, %add3A_527 : vector<16xi32>
      %broadcast_in_dim3A_529 = vector.shape_cast %add3A_528 : vector<16xi32> to vector<16x1xi32>
      %gather3A_530 = vector.shape_cast %broadcast_in_dim3A_529 : vector<16x1xi32> to vector<16xi32>
      %gather3A_531 = tpu.dynamic_gather %get3A_498[%gather3A_530] in [0] : vector<16xi32>, vector<16xi32> -> vector<16xi32>
      %mul3A_532 = arith.constant 4 : i32
      %mul3A_533 = vector.broadcast %mul3A_532 : i32 to vector<16xi32>
      %mul3A_534 = arith.muli %sub3A_495, %mul3A_533 : vector<16xi32>
      %add3A_535 = arith.constant 3 : i32
      %add3A_536 = vector.broadcast %add3A_535 : i32 to vector<16xi32>
      %add3A_537 = arith.addi %mul3A_534, %add3A_536 : vector<16xi32>
      %broadcast_in_dim3A_538 = vector.shape_cast %add3A_537 : vector<16xi32> to vector<16x1xi32>
      %gather3A_539 = vector.shape_cast %broadcast_in_dim3A_538 : vector<16x1xi32> to vector<16xi32>
      %gather3A_540 = tpu.dynamic_gather %get3A_498[%gather3A_539] in [0] : vector<16xi32>, vector<16xi32> -> vector<16xi32>
      %add3A_541 = arith.addi %broadcast_in_dim3A_4, %gather3A_540 : vector<16xi32>
      %mul3A_542 = arith.muli %gather3A_531, %add3A_541 : vector<16xi32>
      %add3A_543 = arith.addi %broadcast_in_dim3A_4, %mul3A_542 : vector<16xi32>
      %mul3A_544 = arith.muli %gather3A_522, %add3A_543 : vector<16xi32>
      %add3A_545 = arith.addi %broadcast_in_dim3A_4, %mul3A_544 : vector<16xi32>
      %mul3A_546 = arith.muli %gather3A_513, %add3A_545 : vector<16xi32>
      %mul3A_547 = arith.constant 4 : i32
      %mul3A_548 = vector.broadcast %mul3A_547 : i32 to vector<16xi32>
      %mul3A_549 = arith.muli %sub3A_495, %mul3A_548 : vector<16xi32>
      %add3A_550 = arith.addi %mul3A_549, %sub3A_492 : vector<16xi32>
      %broadcast_in_dim3A_551 = arith.constant 15 : i32
      %broadcast_in_dim3A_552 = vector.broadcast %broadcast_in_dim3A_551 : i32 to vector<16xi32>
      %min3A_553 = arith.minsi %add3A_550, %broadcast_in_dim3A_552 : vector<16xi32>
      %broadcast_in_dim3A_554 = vector.shape_cast %min3A_553 : vector<16xi32> to vector<16x1xi32>
      %gather3A_555 = vector.shape_cast %broadcast_in_dim3A_554 : vector<16x1xi32> to vector<16xi32>
      %gather3A_556 = tpu.dynamic_gather %get3A_501[%gather3A_555] in [0] : vector<16xi32>, vector<16xi32> -> vector<16xi32>
      %mul3A_557 = arith.constant 4 : i32
      %mul3A_558 = vector.broadcast %mul3A_557 : i32 to vector<16xi32>
      %mul3A_559 = arith.muli %sub3A_495, %mul3A_558 : vector<16xi32>
      %max3A_560 = arith.maxsi %mul3A_546, %broadcast_in_dim3A_6 : vector<16xi32>
      %broadcast_in_dim3A_561 = arith.constant 3 : i32
      %broadcast_in_dim3A_562 = vector.broadcast %broadcast_in_dim3A_561 : i32 to vector<16xi32>
      %min3A_563 = arith.minsi %max3A_560, %broadcast_in_dim3A_562 : vector<16xi32>
      %add3A_564 = arith.addi %mul3A_559, %min3A_563 : vector<16xi32>
      %broadcast_in_dim3A_565 = vector.shape_cast %add3A_564 : vector<16xi32> to vector<16x1xi32>
      %gather3A_566 = vector.shape_cast %broadcast_in_dim3A_565 : vector<16x1xi32> to vector<16xi32>
      %gather3A_567 = tpu.dynamic_gather %get3A_504[%gather3A_566] in [0] : vector<16xi32>, vector<16xi32> -> vector<16xi32>
      %broadcast_in_dim3A_568 = arith.constant 16 : i32
      %broadcast_in_dim3A_569 = vector.broadcast %broadcast_in_dim3A_568 : i32 to vector<16xi32>
      %sub3A_570 = arith.subi %div3A_490, %broadcast_in_dim3A_569 : vector<16xi32>
      %broadcast_in_dim3A_571 = vector.shape_cast %sub3A_570 : vector<16xi32> to vector<16x1xi32>
      %gather3A_572 = vector.shape_cast %broadcast_in_dim3A_571 : vector<16x1xi32> to vector<16xi32>
      %gather3A_573 = tpu.dynamic_gather %get3A_507[%gather3A_572] in [0] : vector<16xi32>, vector<16xi32> -> vector<16xi32>
      %lt3A_574 = arith.cmpi slt, %mul3A_546, %broadcast_in_dim3A_10 : vector<16xi32>
      %select_n3A_575 = arith.select %lt3A_574, %gather3A_567, %gather3A_573 : vector<16xi1>, vector<16xi32>
      %eq3A_576 = arith.cmpi eq, %sub3A_492, %mul3A_546 : vector<16xi32>
      %lt3A_577 = arith.cmpi slt, %sub3A_492, %mul3A_546 : vector<16xi32>
      %select_n3A_578 = arith.select %lt3A_577, %gather3A_556, %broadcast_in_dim3A_8 : vector<16xi1>, vector<16xi32>
      %select_n3A_579 = arith.select %eq3A_576, %select_n3A_575, %select_n3A_578 : vector<16xi1>, vector<16xi32>
      %swap3A_580 = arith.constant 80 : index
      %swap3A_581 = tpu.vector_load %arg11[%swap3A_580] {strides = array<i32>} : memref<160xi32, #tpu.memory_space<vmem>>, vector<16xi32>,
      %swap3A_582 = vector.shape_cast %swap3A_581 : vector<16xi32> to vector<16xi32>
      %swap3A_583 = vector.shape_cast %select_n3A_579 : vector<16xi32> to vector<16xi32>
      tpu.vector_store %arg11[%swap3A_580], %swap3A_583 {strides = array<i32>} : memref<160xi32, #tpu.memory_space<vmem>>, vector<16xi32>,
      %add3A_584 = arith.constant 96 : i32
      %add3A_585 = vector.broadcast %add3A_584 : i32 to vector<16xi32>
      %add3A_586 = arith.addi %add3A_585, %iota3A : vector<16xi32>
      %div3A_587 = arith.divsi %add3A_586, %broadcast_in_dim3A_12 : vector<16xi32>
      %mul3A_588 = arith.muli %div3A_587, %broadcast_in_dim3A_12 : vector<16xi32>
      %sub3A_589 = arith.subi %add3A_586, %mul3A_588 : vector<16xi32>
      %broadcast_in_dim3A_590 = arith.constant 19 : i32
      %broadcast_in_dim3A_591 = vector.broadcast %broadcast_in_dim3A_590 : i32 to vector<16xi32>
      %sub3A_592 = arith.subi %div3A_587, %broadcast_in_dim3A_591 : vector<16xi32>
      %get3A_593 = arith.constant 76 : index
      %get3A_594 = tpu.vector_load %arg9[%get3A_593] {strides = array<i32>} : memref<128xi32, #tpu.memory_space<vmem>>, vector<16xi32>,
      %get3A_595 = vector.shape_cast %get3A_594 : vector<16xi32> to vector<16xi32>
      %get3A_596 = arith.constant 76 : index
      %get3A_597 = tpu.vector_load %arg7[%get3A_596] {strides = array<i32>} : memref<128xi32, #tpu.memory_space<vmem>>, vector<16xi32>,
      %get3A_598 = vector.shape_cast %get3A_597 : vector<16xi32> to vector<16xi32>
      %get3A_599 = arith.constant 76 : index
      %get3A_600 = tpu.vector_load %arg8[%get3A_599] {strides = array<i32>} : memref<128xi32, #tpu.memory_space<vmem>>, vector<16xi32>,
      %get3A_601 = vector.shape_cast %get3A_600 : vector<16xi32> to vector<16xi32>
      %get3A_602 = arith.constant 16 : index
      %get3A_603 = tpu.vector_load %arg10[%get3A_602] {strides = array<i32>} : memref<32xi32, #tpu.memory_space<vmem>>, vector<16xi32>,
      %get3A_604 = vector.shape_cast %get3A_603 : vector<16xi32> to vector<16xi32>
      %mul3A_605 = arith.constant 4 : i32
      %mul3A_606 = vector.broadcast %mul3A_605 : i32 to vector<16xi32>
      %mul3A_607 = arith.muli %sub3A_592, %mul3A_606 : vector<16xi32>
      %broadcast_in_dim3A_608 = vector.shape_cast %mul3A_607 : vector<16xi32> to vector<16x1xi32>
      %gather3A_609 = vector.shape_cast %broadcast_in_dim3A_608 : vector<16x1xi32> to vector<16xi32>
      %gather3A_610 = tpu.dynamic_gather %get3A_595[%gather3A_609] in [0] : vector<16xi32>, vector<16xi32> -> vector<16xi32>
      %mul3A_611 = arith.constant 4 : i32
      %mul3A_612 = vector.broadcast %mul3A_611 : i32 to vector<16xi32>
      %mul3A_613 = arith.muli %sub3A_592, %mul3A_612 : vector<16xi32>
      %add3A_614 = arith.constant 1 : i32
      %add3A_615 = vector.broadcast %add3A_614 : i32 to vector<16xi32>
      %add3A_616 = arith.addi %mul3A_613, %add3A_615 : vector<16xi32>
      %broadcast_in_dim3A_617 = vector.shape_cast %add3A_616 : vector<16xi32> to vector<16x1xi32>
      %gather3A_618 = vector.shape_cast %broadcast_in_dim3A_617 : vector<16x1xi32> to vector<16xi32>
      %gather3A_619 = tpu.dynamic_gather %get3A_595[%gather3A_618] in [0] : vector<16xi32>, vector<16xi32> -> vector<16xi32>
      %mul3A_620 = arith.constant 4 : i32
      %mul3A_621 = vector.broadcast %mul3A_620 : i32 to vector<16xi32>
      %mul3A_622 = arith.muli %sub3A_592, %mul3A_621 : vector<16xi32>
      %add3A_623 = arith.constant 2 : i32
      %add3A_624 = vector.broadcast %add3A_623 : i32 to vector<16xi32>
      %add3A_625 = arith.addi %mul3A_622, %add3A_624 : vector<16xi32>
      %broadcast_in_dim3A_626 = vector.shape_cast %add3A_625 : vector<16xi32> to vector<16x1xi32>
      %gather3A_627 = vector.shape_cast %broadcast_in_dim3A_626 : vector<16x1xi32> to vector<16xi32>
      %gather3A_628 = tpu.dynamic_gather %get3A_595[%gather3A_627] in [0] : vector<16xi32>, vector<16xi32> -> vector<16xi32>
      %mul3A_629 = arith.constant 4 : i32
      %mul3A_630 = vector.broadcast %mul3A_629 : i32 to vector<16xi32>
      %mul3A_631 = arith.muli %sub3A_592, %mul3A_630 : vector<16xi32>
      %add3A_632 = arith.constant 3 : i32
      %add3A_633 = vector.broadcast %add3A_632 : i32 to vector<16xi32>
      %add3A_634 = arith.addi %mul3A_631, %add3A_633 : vector<16xi32>
      %broadcast_in_dim3A_635 = vector.shape_cast %add3A_634 : vector<16xi32> to vector<16x1xi32>
      %gather3A_636 = vector.shape_cast %broadcast_in_dim3A_635 : vector<16x1xi32> to vector<16xi32>
      %gather3A_637 = tpu.dynamic_gather %get3A_595[%gather3A_636] in [0] : vector<16xi32>, vector<16xi32> -> vector<16xi32>
      %add3A_638 = arith.addi %broadcast_in_dim3A_4, %gather3A_637 : vector<16xi32>
      %mul3A_639 = arith.muli %gather3A_628, %add3A_638 : vector<16xi32>
      %add3A_640 = arith.addi %broadcast_in_dim3A_4, %mul3A_639 : vector<16xi32>
      %mul3A_641 = arith.muli %gather3A_619, %add3A_640 : vector<16xi32>
      %add3A_642 = arith.addi %broadcast_in_dim3A_4, %mul3A_641 : vector<16xi32>
      %mul3A_643 = arith.muli %gather3A_610, %add3A_642 : vector<16xi32>
      %mul3A_644 = arith.constant 4 : i32
      %mul3A_645 = vector.broadcast %mul3A_644 : i32 to vector<16xi32>
      %mul3A_646 = arith.muli %sub3A_592, %mul3A_645 : vector<16xi32>
      %add3A_647 = arith.addi %mul3A_646, %sub3A_589 : vector<16xi32>
      %broadcast_in_dim3A_648 = arith.constant 15 : i32
      %broadcast_in_dim3A_649 = vector.broadcast %broadcast_in_dim3A_648 : i32 to vector<16xi32>
      %min3A_650 = arith.minsi %add3A_647, %broadcast_in_dim3A_649 : vector<16xi32>
      %broadcast_in_dim3A_651 = vector.shape_cast %min3A_650 : vector<16xi32> to vector<16x1xi32>
      %gather3A_652 = vector.shape_cast %broadcast_in_dim3A_651 : vector<16x1xi32> to vector<16xi32>
      %gather3A_653 = tpu.dynamic_gather %get3A_598[%gather3A_652] in [0] : vector<16xi32>, vector<16xi32> -> vector<16xi32>
      %mul3A_654 = arith.constant 4 : i32
      %mul3A_655 = vector.broadcast %mul3A_654 : i32 to vector<16xi32>
      %mul3A_656 = arith.muli %sub3A_592, %mul3A_655 : vector<16xi32>
      %max3A_657 = arith.maxsi %mul3A_643, %broadcast_in_dim3A_6 : vector<16xi32>
      %broadcast_in_dim3A_658 = arith.constant 3 : i32
      %broadcast_in_dim3A_659 = vector.broadcast %broadcast_in_dim3A_658 : i32 to vector<16xi32>
      %min3A_660 = arith.minsi %max3A_657, %broadcast_in_dim3A_659 : vector<16xi32>
      %add3A_661 = arith.addi %mul3A_656, %min3A_660 : vector<16xi32>
      %broadcast_in_dim3A_662 = vector.shape_cast %add3A_661 : vector<16xi32> to vector<16x1xi32>
      %gather3A_663 = vector.shape_cast %broadcast_in_dim3A_662 : vector<16x1xi32> to vector<16xi32>
      %gather3A_664 = tpu.dynamic_gather %get3A_601[%gather3A_663] in [0] : vector<16xi32>, vector<16xi32> -> vector<16xi32>
      %broadcast_in_dim3A_665 = arith.constant 16 : i32
      %broadcast_in_dim3A_666 = vector.broadcast %broadcast_in_dim3A_665 : i32 to vector<16xi32>
      %sub3A_667 = arith.subi %div3A_587, %broadcast_in_dim3A_666 : vector<16xi32>
      %broadcast_in_dim3A_668 = vector.shape_cast %sub3A_667 : vector<16xi32> to vector<16x1xi32>
      %gather3A_669 = vector.shape_cast %broadcast_in_dim3A_668 : vector<16x1xi32> to vector<16xi32>
      %gather3A_670 = tpu.dynamic_gather %get3A_604[%gather3A_669] in [0] : vector<16xi32>, vector<16xi32> -> vector<16xi32>
      %lt3A_671 = arith.cmpi slt, %mul3A_643, %broadcast_in_dim3A_10 : vector<16xi32>
      %select_n3A_672 = arith.select %lt3A_671, %gather3A_664, %gather3A_670 : vector<16xi1>, vector<16xi32>
      %eq3A_673 = arith.cmpi eq, %sub3A_589, %mul3A_643 : vector<16xi32>
      %lt3A_674 = arith.cmpi slt, %sub3A_589, %mul3A_643 : vector<16xi32>
      %select_n3A_675 = arith.select %lt3A_674, %gather3A_653, %broadcast_in_dim3A_8 : vector<16xi1>, vector<16xi32>
      %select_n3A_676 = arith.select %eq3A_673, %select_n3A_672, %select_n3A_675 : vector<16xi1>, vector<16xi32>
      %swap3A_677 = arith.constant 96 : index
      %swap3A_678 = tpu.vector_load %arg11[%swap3A_677] {strides = array<i32>} : memref<160xi32, #tpu.memory_space<vmem>>, vector<16xi32>,
      %swap3A_679 = vector.shape_cast %swap3A_678 : vector<16xi32> to vector<16xi32>
      %swap3A_680 = vector.shape_cast %select_n3A_676 : vector<16xi32> to vector<16xi32>
      tpu.vector_store %arg11[%swap3A_677], %swap3A_680 {strides = array<i32>} : memref<160xi32, #tpu.memory_space<vmem>>, vector<16xi32>,
      %add3A_681 = arith.constant 112 : i32
      %add3A_682 = vector.broadcast %add3A_681 : i32 to vector<16xi32>
      %add3A_683 = arith.addi %add3A_682, %iota3A : vector<16xi32>
      %div3A_684 = arith.divsi %add3A_683, %broadcast_in_dim3A_12 : vector<16xi32>
      %mul3A_685 = arith.muli %div3A_684, %broadcast_in_dim3A_12 : vector<16xi32>
      %sub3A_686 = arith.subi %add3A_683, %mul3A_685 : vector<16xi32>
      %broadcast_in_dim3A_687 = arith.constant 22 : i32
      %broadcast_in_dim3A_688 = vector.broadcast %broadcast_in_dim3A_687 : i32 to vector<16xi32>
      %sub3A_689 = arith.subi %div3A_684, %broadcast_in_dim3A_688 : vector<16xi32>
      %get3A_690 = arith.constant 88 : index
      %get3A_691 = tpu.vector_load %arg9[%get3A_690] {strides = array<i32>} : memref<128xi32, #tpu.memory_space<vmem>>, vector<16xi32>,
      %get3A_692 = vector.shape_cast %get3A_691 : vector<16xi32> to vector<16xi32>
      %get3A_693 = arith.constant 88 : index
      %get3A_694 = tpu.vector_load %arg7[%get3A_693] {strides = array<i32>} : memref<128xi32, #tpu.memory_space<vmem>>, vector<16xi32>,
      %get3A_695 = vector.shape_cast %get3A_694 : vector<16xi32> to vector<16xi32>
      %get3A_696 = arith.constant 88 : index
      %get3A_697 = tpu.vector_load %arg8[%get3A_696] {strides = array<i32>} : memref<128xi32, #tpu.memory_space<vmem>>, vector<16xi32>,
      %get3A_698 = vector.shape_cast %get3A_697 : vector<16xi32> to vector<16xi32>
      %get3A_699 = arith.constant 16 : index
      %get3A_700 = tpu.vector_load %arg10[%get3A_699] {strides = array<i32>} : memref<32xi32, #tpu.memory_space<vmem>>, vector<16xi32>,
      %get3A_701 = vector.shape_cast %get3A_700 : vector<16xi32> to vector<16xi32>
      %mul3A_702 = arith.constant 4 : i32
      %mul3A_703 = vector.broadcast %mul3A_702 : i32 to vector<16xi32>
      %mul3A_704 = arith.muli %sub3A_689, %mul3A_703 : vector<16xi32>
      %broadcast_in_dim3A_705 = vector.shape_cast %mul3A_704 : vector<16xi32> to vector<16x1xi32>
      %gather3A_706 = vector.shape_cast %broadcast_in_dim3A_705 : vector<16x1xi32> to vector<16xi32>
      %gather3A_707 = tpu.dynamic_gather %get3A_692[%gather3A_706] in [0] : vector<16xi32>, vector<16xi32> -> vector<16xi32>
      %mul3A_708 = arith.constant 4 : i32
      %mul3A_709 = vector.broadcast %mul3A_708 : i32 to vector<16xi32>
      %mul3A_710 = arith.muli %sub3A_689, %mul3A_709 : vector<16xi32>
      %add3A_711 = arith.constant 1 : i32
      %add3A_712 = vector.broadcast %add3A_711 : i32 to vector<16xi32>
      %add3A_713 = arith.addi %mul3A_710, %add3A_712 : vector<16xi32>
      %broadcast_in_dim3A_714 = vector.shape_cast %add3A_713 : vector<16xi32> to vector<16x1xi32>
      %gather3A_715 = vector.shape_cast %broadcast_in_dim3A_714 : vector<16x1xi32> to vector<16xi32>
      %gather3A_716 = tpu.dynamic_gather %get3A_692[%gather3A_715] in [0] : vector<16xi32>, vector<16xi32> -> vector<16xi32>
      %mul3A_717 = arith.constant 4 : i32
      %mul3A_718 = vector.broadcast %mul3A_717 : i32 to vector<16xi32>
      %mul3A_719 = arith.muli %sub3A_689, %mul3A_718 : vector<16xi32>
      %add3A_720 = arith.constant 2 : i32
      %add3A_721 = vector.broadcast %add3A_720 : i32 to vector<16xi32>
      %add3A_722 = arith.addi %mul3A_719, %add3A_721 : vector<16xi32>
      %broadcast_in_dim3A_723 = vector.shape_cast %add3A_722 : vector<16xi32> to vector<16x1xi32>
      %gather3A_724 = vector.shape_cast %broadcast_in_dim3A_723 : vector<16x1xi32> to vector<16xi32>
      %gather3A_725 = tpu.dynamic_gather %get3A_692[%gather3A_724] in [0] : vector<16xi32>, vector<16xi32> -> vector<16xi32>
      %mul3A_726 = arith.constant 4 : i32
      %mul3A_727 = vector.broadcast %mul3A_726 : i32 to vector<16xi32>
      %mul3A_728 = arith.muli %sub3A_689, %mul3A_727 : vector<16xi32>
      %add3A_729 = arith.constant 3 : i32
      %add3A_730 = vector.broadcast %add3A_729 : i32 to vector<16xi32>
      %add3A_731 = arith.addi %mul3A_728, %add3A_730 : vector<16xi32>
      %broadcast_in_dim3A_732 = vector.shape_cast %add3A_731 : vector<16xi32> to vector<16x1xi32>
      %gather3A_733 = vector.shape_cast %broadcast_in_dim3A_732 : vector<16x1xi32> to vector<16xi32>
      %gather3A_734 = tpu.dynamic_gather %get3A_692[%gather3A_733] in [0] : vector<16xi32>, vector<16xi32> -> vector<16xi32>
      %add3A_735 = arith.addi %broadcast_in_dim3A_4, %gather3A_734 : vector<16xi32>
      %mul3A_736 = arith.muli %gather3A_725, %add3A_735 : vector<16xi32>
      %add3A_737 = arith.addi %broadcast_in_dim3A_4, %mul3A_736 : vector<16xi32>
      %mul3A_738 = arith.muli %gather3A_716, %add3A_737 : vector<16xi32>
      %add3A_739 = arith.addi %broadcast_in_dim3A_4, %mul3A_738 : vector<16xi32>
      %mul3A_740 = arith.muli %gather3A_707, %add3A_739 : vector<16xi32>
      %mul3A_741 = arith.constant 4 : i32
      %mul3A_742 = vector.broadcast %mul3A_741 : i32 to vector<16xi32>
      %mul3A_743 = arith.muli %sub3A_689, %mul3A_742 : vector<16xi32>
      %add3A_744 = arith.addi %mul3A_743, %sub3A_686 : vector<16xi32>
      %broadcast_in_dim3A_745 = arith.constant 15 : i32
      %broadcast_in_dim3A_746 = vector.broadcast %broadcast_in_dim3A_745 : i32 to vector<16xi32>
      %min3A_747 = arith.minsi %add3A_744, %broadcast_in_dim3A_746 : vector<16xi32>
      %broadcast_in_dim3A_748 = vector.shape_cast %min3A_747 : vector<16xi32> to vector<16x1xi32>
      %gather3A_749 = vector.shape_cast %broadcast_in_dim3A_748 : vector<16x1xi32> to vector<16xi32>
      %gather3A_750 = tpu.dynamic_gather %get3A_695[%gather3A_749] in [0] : vector<16xi32>, vector<16xi32> -> vector<16xi32>
      %mul3A_751 = arith.constant 4 : i32
      %mul3A_752 = vector.broadcast %mul3A_751 : i32 to vector<16xi32>
      %mul3A_753 = arith.muli %sub3A_689, %mul3A_752 : vector<16xi32>
      %max3A_754 = arith.maxsi %mul3A_740, %broadcast_in_dim3A_6 : vector<16xi32>
      %broadcast_in_dim3A_755 = arith.constant 3 : i32
      %broadcast_in_dim3A_756 = vector.broadcast %broadcast_in_dim3A_755 : i32 to vector<16xi32>
      %min3A_757 = arith.minsi %max3A_754, %broadcast_in_dim3A_756 : vector<16xi32>
      %add3A_758 = arith.addi %mul3A_753, %min3A_757 : vector<16xi32>
      %broadcast_in_dim3A_759 = vector.shape_cast %add3A_758 : vector<16xi32> to vector<16x1xi32>
      %gather3A_760 = vector.shape_cast %broadcast_in_dim3A_759 : vector<16x1xi32> to vector<16xi32>
      %gather3A_761 = tpu.dynamic_gather %get3A_698[%gather3A_760] in [0] : vector<16xi32>, vector<16xi32> -> vector<16xi32>
      %broadcast_in_dim3A_762 = arith.constant 16 : i32
      %broadcast_in_dim3A_763 = vector.broadcast %broadcast_in_dim3A_762 : i32 to vector<16xi32>
      %sub3A_764 = arith.subi %div3A_684, %broadcast_in_dim3A_763 : vector<16xi32>
      %broadcast_in_dim3A_765 = vector.shape_cast %sub3A_764 : vector<16xi32> to vector<16x1xi32>
      %gather3A_766 = vector.shape_cast %broadcast_in_dim3A_765 : vector<16x1xi32> to vector<16xi32>
      %gather3A_767 = tpu.dynamic_gather %get3A_701[%gather3A_766] in [0] : vector<16xi32>, vector<16xi32> -> vector<16xi32>
      %lt3A_768 = arith.cmpi slt, %mul3A_740, %broadcast_in_dim3A_10 : vector<16xi32>
      %select_n3A_769 = arith.select %lt3A_768, %gather3A_761, %gather3A_767 : vector<16xi1>, vector<16xi32>
      %eq3A_770 = arith.cmpi eq, %sub3A_686, %mul3A_740 : vector<16xi32>
      %lt3A_771 = arith.cmpi slt, %sub3A_686, %mul3A_740 : vector<16xi32>
      %select_n3A_772 = arith.select %lt3A_771, %gather3A_750, %broadcast_in_dim3A_8 : vector<16xi1>, vector<16xi32>
      %select_n3A_773 = arith.select %eq3A_770, %select_n3A_769, %select_n3A_772 : vector<16xi1>, vector<16xi32>
      %swap3A_774 = arith.constant 112 : index
      %swap3A_775 = tpu.vector_load %arg11[%swap3A_774] {strides = array<i32>} : memref<160xi32, #tpu.memory_space<vmem>>, vector<16xi32>,
      %swap3A_776 = vector.shape_cast %swap3A_775 : vector<16xi32> to vector<16xi32>
      %swap3A_777 = vector.shape_cast %select_n3A_773 : vector<16xi32> to vector<16xi32>
      tpu.vector_store %arg11[%swap3A_774], %swap3A_777 {strides = array<i32>} : memref<160xi32, #tpu.memory_space<vmem>>, vector<16xi32>,
      %add3A_778 = arith.constant 128 : i32
      %add3A_779 = vector.broadcast %add3A_778 : i32 to vector<16xi32>
      %add3A_780 = arith.addi %add3A_779, %iota3A : vector<16xi32>
      %div3A_781 = arith.divsi %add3A_780, %broadcast_in_dim3A_12 : vector<16xi32>
      %mul3A_782 = arith.muli %div3A_781, %broadcast_in_dim3A_12 : vector<16xi32>
      %sub3A_783 = arith.subi %add3A_780, %mul3A_782 : vector<16xi32>
      %broadcast_in_dim3A_784 = arith.constant 25 : i32
      %broadcast_in_dim3A_785 = vector.broadcast %broadcast_in_dim3A_784 : i32 to vector<16xi32>
      %sub3A_786 = arith.subi %div3A_781, %broadcast_in_dim3A_785 : vector<16xi32>
      %get3A_787 = arith.constant 100 : index
      %get3A_788 = tpu.vector_load %arg9[%get3A_787] {strides = array<i32>} : memref<128xi32, #tpu.memory_space<vmem>>, vector<16xi32>,
      %get3A_789 = vector.shape_cast %get3A_788 : vector<16xi32> to vector<16xi32>
      %get3A_790 = arith.constant 100 : index
      %get3A_791 = tpu.vector_load %arg7[%get3A_790] {strides = array<i32>} : memref<128xi32, #tpu.memory_space<vmem>>, vector<16xi32>,
      %get3A_792 = vector.shape_cast %get3A_791 : vector<16xi32> to vector<16xi32>
      %get3A_793 = arith.constant 100 : index
      %get3A_794 = tpu.vector_load %arg8[%get3A_793] {strides = array<i32>} : memref<128xi32, #tpu.memory_space<vmem>>, vector<16xi32>,
      %get3A_795 = vector.shape_cast %get3A_794 : vector<16xi32> to vector<16xi32>
      %get3A_796 = arith.constant 16 : index
      %get3A_797 = tpu.vector_load %arg10[%get3A_796] {strides = array<i32>} : memref<32xi32, #tpu.memory_space<vmem>>, vector<16xi32>,
      %get3A_798 = vector.shape_cast %get3A_797 : vector<16xi32> to vector<16xi32>
      %mul3A_799 = arith.constant 4 : i32
      %mul3A_800 = vector.broadcast %mul3A_799 : i32 to vector<16xi32>
      %mul3A_801 = arith.muli %sub3A_786, %mul3A_800 : vector<16xi32>
      %broadcast_in_dim3A_802 = vector.shape_cast %mul3A_801 : vector<16xi32> to vector<16x1xi32>
      %gather3A_803 = vector.shape_cast %broadcast_in_dim3A_802 : vector<16x1xi32> to vector<16xi32>
      %gather3A_804 = tpu.dynamic_gather %get3A_789[%gather3A_803] in [0] : vector<16xi32>, vector<16xi32> -> vector<16xi32>
      %mul3A_805 = arith.constant 4 : i32
      %mul3A_806 = vector.broadcast %mul3A_805 : i32 to vector<16xi32>
      %mul3A_807 = arith.muli %sub3A_786, %mul3A_806 : vector<16xi32>
      %add3A_808 = arith.constant 1 : i32
      %add3A_809 = vector.broadcast %add3A_808 : i32 to vector<16xi32>
      %add3A_810 = arith.addi %mul3A_807, %add3A_809 : vector<16xi32>
      %broadcast_in_dim3A_811 = vector.shape_cast %add3A_810 : vector<16xi32> to vector<16x1xi32>
      %gather3A_812 = vector.shape_cast %broadcast_in_dim3A_811 : vector<16x1xi32> to vector<16xi32>
      %gather3A_813 = tpu.dynamic_gather %get3A_789[%gather3A_812] in [0] : vector<16xi32>, vector<16xi32> -> vector<16xi32>
      %mul3A_814 = arith.constant 4 : i32
      %mul3A_815 = vector.broadcast %mul3A_814 : i32 to vector<16xi32>
      %mul3A_816 = arith.muli %sub3A_786, %mul3A_815 : vector<16xi32>
      %add3A_817 = arith.constant 2 : i32
      %add3A_818 = vector.broadcast %add3A_817 : i32 to vector<16xi32>
      %add3A_819 = arith.addi %mul3A_816, %add3A_818 : vector<16xi32>
      %broadcast_in_dim3A_820 = vector.shape_cast %add3A_819 : vector<16xi32> to vector<16x1xi32>
      %gather3A_821 = vector.shape_cast %broadcast_in_dim3A_820 : vector<16x1xi32> to vector<16xi32>
      %gather3A_822 = tpu.dynamic_gather %get3A_789[%gather3A_821] in [0] : vector<16xi32>, vector<16xi32> -> vector<16xi32>
      %mul3A_823 = arith.constant 4 : i32
      %mul3A_824 = vector.broadcast %mul3A_823 : i32 to vector<16xi32>
      %mul3A_825 = arith.muli %sub3A_786, %mul3A_824 : vector<16xi32>
      %add3A_826 = arith.constant 3 : i32
      %add3A_827 = vector.broadcast %add3A_826 : i32 to vector<16xi32>
      %add3A_828 = arith.addi %mul3A_825, %add3A_827 : vector<16xi32>
      %broadcast_in_dim3A_829 = vector.shape_cast %add3A_828 : vector<16xi32> to vector<16x1xi32>
      %gather3A_830 = vector.shape_cast %broadcast_in_dim3A_829 : vector<16x1xi32> to vector<16xi32>
      %gather3A_831 = tpu.dynamic_gather %get3A_789[%gather3A_830] in [0] : vector<16xi32>, vector<16xi32> -> vector<16xi32>
      %add3A_832 = arith.addi %broadcast_in_dim3A_4, %gather3A_831 : vector<16xi32>
      %mul3A_833 = arith.muli %gather3A_822, %add3A_832 : vector<16xi32>
      %add3A_834 = arith.addi %broadcast_in_dim3A_4, %mul3A_833 : vector<16xi32>
      %mul3A_835 = arith.muli %gather3A_813, %add3A_834 : vector<16xi32>
      %add3A_836 = arith.addi %broadcast_in_dim3A_4, %mul3A_835 : vector<16xi32>
      %mul3A_837 = arith.muli %gather3A_804, %add3A_836 : vector<16xi32>
      %mul3A_838 = arith.constant 4 : i32
      %mul3A_839 = vector.broadcast %mul3A_838 : i32 to vector<16xi32>
      %mul3A_840 = arith.muli %sub3A_786, %mul3A_839 : vector<16xi32>
      %add3A_841 = arith.addi %mul3A_840, %sub3A_783 : vector<16xi32>
      %broadcast_in_dim3A_842 = arith.constant 15 : i32
      %broadcast_in_dim3A_843 = vector.broadcast %broadcast_in_dim3A_842 : i32 to vector<16xi32>
      %min3A_844 = arith.minsi %add3A_841, %broadcast_in_dim3A_843 : vector<16xi32>
      %broadcast_in_dim3A_845 = vector.shape_cast %min3A_844 : vector<16xi32> to vector<16x1xi32>
      %gather3A_846 = vector.shape_cast %broadcast_in_dim3A_845 : vector<16x1xi32> to vector<16xi32>
      %gather3A_847 = tpu.dynamic_gather %get3A_792[%gather3A_846] in [0] : vector<16xi32>, vector<16xi32> -> vector<16xi32>
      %mul3A_848 = arith.constant 4 : i32
      %mul3A_849 = vector.broadcast %mul3A_848 : i32 to vector<16xi32>
      %mul3A_850 = arith.muli %sub3A_786, %mul3A_849 : vector<16xi32>
      %max3A_851 = arith.maxsi %mul3A_837, %broadcast_in_dim3A_6 : vector<16xi32>
      %broadcast_in_dim3A_852 = arith.constant 3 : i32
      %broadcast_in_dim3A_853 = vector.broadcast %broadcast_in_dim3A_852 : i32 to vector<16xi32>
      %min3A_854 = arith.minsi %max3A_851, %broadcast_in_dim3A_853 : vector<16xi32>
      %add3A_855 = arith.addi %mul3A_850, %min3A_854 : vector<16xi32>
      %broadcast_in_dim3A_856 = vector.shape_cast %add3A_855 : vector<16xi32> to vector<16x1xi32>
      %gather3A_857 = vector.shape_cast %broadcast_in_dim3A_856 : vector<16x1xi32> to vector<16xi32>
      %gather3A_858 = tpu.dynamic_gather %get3A_795[%gather3A_857] in [0] : vector<16xi32>, vector<16xi32> -> vector<16xi32>
      %broadcast_in_dim3A_859 = arith.constant 16 : i32
      %broadcast_in_dim3A_860 = vector.broadcast %broadcast_in_dim3A_859 : i32 to vector<16xi32>
      %sub3A_861 = arith.subi %div3A_781, %broadcast_in_dim3A_860 : vector<16xi32>
      %broadcast_in_dim3A_862 = vector.shape_cast %sub3A_861 : vector<16xi32> to vector<16x1xi32>
      %gather3A_863 = vector.shape_cast %broadcast_in_dim3A_862 : vector<16x1xi32> to vector<16xi32>
      %gather3A_864 = tpu.dynamic_gather %get3A_798[%gather3A_863] in [0] : vector<16xi32>, vector<16xi32> -> vector<16xi32>
      %lt3A_865 = arith.cmpi slt, %mul3A_837, %broadcast_in_dim3A_10 : vector<16xi32>
      %select_n3A_866 = arith.select %lt3A_865, %gather3A_858, %gather3A_864 : vector<16xi1>, vector<16xi32>
      %eq3A_867 = arith.cmpi eq, %sub3A_783, %mul3A_837 : vector<16xi32>
      %lt3A_868 = arith.cmpi slt, %sub3A_783, %mul3A_837 : vector<16xi32>
      %select_n3A_869 = arith.select %lt3A_868, %gather3A_847, %broadcast_in_dim3A_8 : vector<16xi1>, vector<16xi32>
      %select_n3A_870 = arith.select %eq3A_867, %select_n3A_866, %select_n3A_869 : vector<16xi1>, vector<16xi32>
      %swap3A_871 = arith.constant 128 : index
      %swap3A_872 = tpu.vector_load %arg11[%swap3A_871] {strides = array<i32>} : memref<160xi32, #tpu.memory_space<vmem>>, vector<16xi32>,
      %swap3A_873 = vector.shape_cast %swap3A_872 : vector<16xi32> to vector<16xi32>
      %swap3A_874 = vector.shape_cast %select_n3A_870 : vector<16xi32> to vector<16xi32>
      tpu.vector_store %arg11[%swap3A_871], %swap3A_874 {strides = array<i32>} : memref<160xi32, #tpu.memory_space<vmem>>, vector<16xi32>,
      %add3A_875 = arith.constant 144 : i32
      %add3A_876 = vector.broadcast %add3A_875 : i32 to vector<16xi32>
      %add3A_877 = arith.addi %add3A_876, %iota3A : vector<16xi32>
      %div3A_878 = arith.divsi %add3A_877, %broadcast_in_dim3A_12 : vector<16xi32>
      %mul3A_879 = arith.muli %div3A_878, %broadcast_in_dim3A_12 : vector<16xi32>
      %sub3A_880 = arith.subi %add3A_877, %mul3A_879 : vector<16xi32>
      %broadcast_in_dim3A_881 = arith.constant 28 : i32
      %broadcast_in_dim3A_882 = vector.broadcast %broadcast_in_dim3A_881 : i32 to vector<16xi32>
      %sub3A_883 = arith.subi %div3A_878, %broadcast_in_dim3A_882 : vector<16xi32>
      %get3A_884 = arith.constant 112 : index
      %get3A_885 = tpu.vector_load %arg9[%get3A_884] {strides = array<i32>} : memref<128xi32, #tpu.memory_space<vmem>>, vector<16xi32>,
      %get3A_886 = vector.shape_cast %get3A_885 : vector<16xi32> to vector<16xi32>
      %get3A_887 = arith.constant 112 : index
      %get3A_888 = tpu.vector_load %arg7[%get3A_887] {strides = array<i32>} : memref<128xi32, #tpu.memory_space<vmem>>, vector<16xi32>,
      %get3A_889 = vector.shape_cast %get3A_888 : vector<16xi32> to vector<16xi32>
      %get3A_890 = arith.constant 112 : index
      %get3A_891 = tpu.vector_load %arg8[%get3A_890] {strides = array<i32>} : memref<128xi32, #tpu.memory_space<vmem>>, vector<16xi32>,
      %get3A_892 = vector.shape_cast %get3A_891 : vector<16xi32> to vector<16xi32>
      %get3A_893 = arith.constant 16 : index
      %get3A_894 = tpu.vector_load %arg10[%get3A_893] {strides = array<i32>} : memref<32xi32, #tpu.memory_space<vmem>>, vector<16xi32>,
      %get3A_895 = vector.shape_cast %get3A_894 : vector<16xi32> to vector<16xi32>
      %mul3A_896 = arith.constant 4 : i32
      %mul3A_897 = vector.broadcast %mul3A_896 : i32 to vector<16xi32>
      %mul3A_898 = arith.muli %sub3A_883, %mul3A_897 : vector<16xi32>
      %broadcast_in_dim3A_899 = vector.shape_cast %mul3A_898 : vector<16xi32> to vector<16x1xi32>
      %gather3A_900 = vector.shape_cast %broadcast_in_dim3A_899 : vector<16x1xi32> to vector<16xi32>
      %gather3A_901 = tpu.dynamic_gather %get3A_886[%gather3A_900] in [0] : vector<16xi32>, vector<16xi32> -> vector<16xi32>
      %mul3A_902 = arith.constant 4 : i32
      %mul3A_903 = vector.broadcast %mul3A_902 : i32 to vector<16xi32>
      %mul3A_904 = arith.muli %sub3A_883, %mul3A_903 : vector<16xi32>
      %add3A_905 = arith.constant 1 : i32
      %add3A_906 = vector.broadcast %add3A_905 : i32 to vector<16xi32>
      %add3A_907 = arith.addi %mul3A_904, %add3A_906 : vector<16xi32>
      %broadcast_in_dim3A_908 = vector.shape_cast %add3A_907 : vector<16xi32> to vector<16x1xi32>
      %gather3A_909 = vector.shape_cast %broadcast_in_dim3A_908 : vector<16x1xi32> to vector<16xi32>
      %gather3A_910 = tpu.dynamic_gather %get3A_886[%gather3A_909] in [0] : vector<16xi32>, vector<16xi32> -> vector<16xi32>
      %mul3A_911 = arith.constant 4 : i32
      %mul3A_912 = vector.broadcast %mul3A_911 : i32 to vector<16xi32>
      %mul3A_913 = arith.muli %sub3A_883, %mul3A_912 : vector<16xi32>
      %add3A_914 = arith.constant 2 : i32
      %add3A_915 = vector.broadcast %add3A_914 : i32 to vector<16xi32>
      %add3A_916 = arith.addi %mul3A_913, %add3A_915 : vector<16xi32>
      %broadcast_in_dim3A_917 = vector.shape_cast %add3A_916 : vector<16xi32> to vector<16x1xi32>
      %gather3A_918 = vector.shape_cast %broadcast_in_dim3A_917 : vector<16x1xi32> to vector<16xi32>
      %gather3A_919 = tpu.dynamic_gather %get3A_886[%gather3A_918] in [0] : vector<16xi32>, vector<16xi32> -> vector<16xi32>
      %mul3A_920 = arith.constant 4 : i32
      %mul3A_921 = vector.broadcast %mul3A_920 : i32 to vector<16xi32>
      %mul3A_922 = arith.muli %sub3A_883, %mul3A_921 : vector<16xi32>
      %add3A_923 = arith.constant 3 : i32
      %add3A_924 = vector.broadcast %add3A_923 : i32 to vector<16xi32>
      %add3A_925 = arith.addi %mul3A_922, %add3A_924 : vector<16xi32>
      %broadcast_in_dim3A_926 = vector.shape_cast %add3A_925 : vector<16xi32> to vector<16x1xi32>
      %gather3A_927 = vector.shape_cast %broadcast_in_dim3A_926 : vector<16x1xi32> to vector<16xi32>
      %gather3A_928 = tpu.dynamic_gather %get3A_886[%gather3A_927] in [0] : vector<16xi32>, vector<16xi32> -> vector<16xi32>
      %add3A_929 = arith.addi %broadcast_in_dim3A_4, %gather3A_928 : vector<16xi32>
      %mul3A_930 = arith.muli %gather3A_919, %add3A_929 : vector<16xi32>
      %add3A_931 = arith.addi %broadcast_in_dim3A_4, %mul3A_930 : vector<16xi32>
      %mul3A_932 = arith.muli %gather3A_910, %add3A_931 : vector<16xi32>
      %add3A_933 = arith.addi %broadcast_in_dim3A_4, %mul3A_932 : vector<16xi32>
      %mul3A_934 = arith.muli %gather3A_901, %add3A_933 : vector<16xi32>
      %mul3A_935 = arith.constant 4 : i32
      %mul3A_936 = vector.broadcast %mul3A_935 : i32 to vector<16xi32>
      %mul3A_937 = arith.muli %sub3A_883, %mul3A_936 : vector<16xi32>
      %add3A_938 = arith.addi %mul3A_937, %sub3A_880 : vector<16xi32>
      %broadcast_in_dim3A_939 = arith.constant 15 : i32
      %broadcast_in_dim3A_940 = vector.broadcast %broadcast_in_dim3A_939 : i32 to vector<16xi32>
      %min3A_941 = arith.minsi %add3A_938, %broadcast_in_dim3A_940 : vector<16xi32>
      %broadcast_in_dim3A_942 = vector.shape_cast %min3A_941 : vector<16xi32> to vector<16x1xi32>
      %gather3A_943 = vector.shape_cast %broadcast_in_dim3A_942 : vector<16x1xi32> to vector<16xi32>
      %gather3A_944 = tpu.dynamic_gather %get3A_889[%gather3A_943] in [0] : vector<16xi32>, vector<16xi32> -> vector<16xi32>
      %mul3A_945 = arith.constant 4 : i32
      %mul3A_946 = vector.broadcast %mul3A_945 : i32 to vector<16xi32>
      %mul3A_947 = arith.muli %sub3A_883, %mul3A_946 : vector<16xi32>
      %max3A_948 = arith.maxsi %mul3A_934, %broadcast_in_dim3A_6 : vector<16xi32>
      %broadcast_in_dim3A_949 = arith.constant 3 : i32
      %broadcast_in_dim3A_950 = vector.broadcast %broadcast_in_dim3A_949 : i32 to vector<16xi32>
      %min3A_951 = arith.minsi %max3A_948, %broadcast_in_dim3A_950 : vector<16xi32>
      %add3A_952 = arith.addi %mul3A_947, %min3A_951 : vector<16xi32>
      %broadcast_in_dim3A_953 = vector.shape_cast %add3A_952 : vector<16xi32> to vector<16x1xi32>
      %gather3A_954 = vector.shape_cast %broadcast_in_dim3A_953 : vector<16x1xi32> to vector<16xi32>
      %gather3A_955 = tpu.dynamic_gather %get3A_892[%gather3A_954] in [0] : vector<16xi32>, vector<16xi32> -> vector<16xi32>
      %broadcast_in_dim3A_956 = arith.constant 16 : i32
      %broadcast_in_dim3A_957 = vector.broadcast %broadcast_in_dim3A_956 : i32 to vector<16xi32>
      %sub3A_958 = arith.subi %div3A_878, %broadcast_in_dim3A_957 : vector<16xi32>
      %broadcast_in_dim3A_959 = vector.shape_cast %sub3A_958 : vector<16xi32> to vector<16x1xi32>
      %gather3A_960 = vector.shape_cast %broadcast_in_dim3A_959 : vector<16x1xi32> to vector<16xi32>
      %gather3A_961 = tpu.dynamic_gather %get3A_895[%gather3A_960] in [0] : vector<16xi32>, vector<16xi32> -> vector<16xi32>
      %lt3A_962 = arith.cmpi slt, %mul3A_934, %broadcast_in_dim3A_10 : vector<16xi32>
      %select_n3A_963 = arith.select %lt3A_962, %gather3A_955, %gather3A_961 : vector<16xi1>, vector<16xi32>
      %eq3A_964 = arith.cmpi eq, %sub3A_880, %mul3A_934 : vector<16xi32>
      %lt3A_965 = arith.cmpi slt, %sub3A_880, %mul3A_934 : vector<16xi32>
      %select_n3A_966 = arith.select %lt3A_965, %gather3A_944, %broadcast_in_dim3A_8 : vector<16xi1>, vector<16xi32>
      %select_n3A_967 = arith.select %eq3A_964, %select_n3A_963, %select_n3A_966 : vector<16xi1>, vector<16xi32>
      %swap3A_968 = arith.constant 144 : index
      %swap3A_969 = tpu.vector_load %arg11[%swap3A_968] {strides = array<i32>} : memref<160xi32, #tpu.memory_space<vmem>>, vector<16xi32>,
      %swap3A_970 = vector.shape_cast %swap3A_969 : vector<16xi32> to vector<16xi32>
      %swap3A_971 = vector.shape_cast %select_n3A_967 : vector<16xi32> to vector<16xi32>
      tpu.vector_store %arg11[%swap3A_968], %swap3A_971 {strides = array<i32>} : memref<160xi32, #tpu.memory_space<vmem>>, vector<16xi32>,
      "tpu.region"() ({
        %run_scoped3A = tpu.sem_alloc : memref<!tpu.dma_semaphore, #tpu.memory_space<semaphore_mem>>
        tpu.enqueue_dma source(%arg11 : memref<160xi32, #tpu.memory_space<vmem>>) target(%arg6 : memref<160xi32, #tpu.memory_space<hbm>>) target_semaphore(%run_scoped3A : memref<!tpu.dma_semaphore, #tpu.memory_space<semaphore_mem>>)
        tpu.wait_dma2 semaphore(%run_scoped3A : memref<!tpu.dma_semaphore, #tpu.memory_space<semaphore_mem>>) src(%arg11 : memref<160xi32, #tpu.memory_space<vmem>>) dst(%arg6 : memref<160xi32, #tpu.memory_space<hbm>>)
        tpu.yield
      }) : () -> ()
    } else {
    }
    return
  }
}

module attributes {stable_mosaic.version = 14 : i64} {
  func.func @_scan_body(%arg0: i32, %arg1: memref<32x4xi32, #tpu.memory_space<smem>>, %arg2: memref<32x4xf32, #tpu.memory_space<smem>>, %arg3: memref<32x5x100000xf32, #tpu.memory_space<any>>, %arg4: memref<32x4x100000xf32, #tpu.memory_space<any>>, %arg5: memref<32x4x100000xf32, #tpu.memory_space<any>>, %arg6: memref<1x4x1xi32, #tpu.memory_space<vmem>>, %arg7: memref<1x4x1xi32, #tpu.memory_space<vmem>>, %arg8: memref<3x4x100000xf32, #tpu.memory_space<vmem>>, %arg9: memref<3x4x100000xf32, #tpu.memory_space<vmem>>, %arg10: memref<3x4x100000xf32, #tpu.memory_space<vmem>>, %arg11: memref<3x!tpu.dma_semaphore, #tpu.memory_space<semaphore_mem>>) attributes {dimension_semantics = [#tpu.dimension_semantics<arbitrary>], iteration_bounds = array<i64: 32>, scalar_prefetch = 0 : i64, scratch_operands = 4 : i64, tpu.core_type = #tpu.core_type<tc>, window_params = [{transform_indices = @transform_0, window_bounds = array<i64: 32, 4>}, {transform_indices = @transform_1, window_bounds = array<i64: 32, 4>}, {}, {}, {}, {transform_indices = @transform_5, window_bounds = array<i64: 1, 4, 1>}, {transform_indices = @transform_6, window_bounds = array<i64: 1, 4, 1>}]} {
    %eq3A = arith.constant 0 : i32
    %eq3A_0 = arith.cmpi eq, %arg0, %eq3A : i32
    %convert_element_type3A = arith.extui %eq3A_0 : i1 to i32
    %cond3A = arith.constant 0 : i32
    %cond3A_1 = arith.cmpi ne, %convert_element_type3A, %cond3A : i32
    scf.if %cond3A_1 {
      %dma_start3A = arith.constant 0 : i32
      %dma_start3A_347 = arith.constant 0 : i32
      %dma_start3A_348 = arith.constant 0 : i32
      %dma_start3A_349 = tpu.memref_slice %arg11[%dma_start3A_348] : memref<3x!tpu.dma_semaphore, #tpu.memory_space<semaphore_mem>> -> memref<1x!tpu.dma_semaphore, #tpu.memory_space<semaphore_mem>>
      %dma_start3A_350 = tpu.memref_squeeze %dma_start3A_349 : memref<1x!tpu.dma_semaphore, #tpu.memory_space<semaphore_mem>> -> memref<!tpu.dma_semaphore, #tpu.memory_space<semaphore_mem>>
      %dma_start3A_351 = arith.constant 0 : i32
      %dma_start3A_352 = arith.constant 0 : i32
      %dma_start3A_353 = tpu.memref_slice %arg8[%dma_start3A_347, %dma_start3A_351, %dma_start3A_352] : memref<3x4x100000xf32, #tpu.memory_space<vmem>> -> memref<1x4x100000xf32, #tpu.memory_space<vmem>>
      %dma_start3A_354 = tpu.memref_squeeze %dma_start3A_353 : memref<1x4x100000xf32, #tpu.memory_space<vmem>> -> memref<4x100000xf32, #tpu.memory_space<vmem>>
      %dma_start3A_355 = arith.constant 0 : i32
      %dma_start3A_356 = arith.constant 0 : i32
      %dma_start3A_357 = tpu.memref_slice %arg3[%dma_start3A, %dma_start3A_355, %dma_start3A_356] : memref<32x5x100000xf32, #tpu.memory_space<any>> -> memref<1x4x100000xf32, #tpu.memory_space<any>>
      %dma_start3A_358 = tpu.memref_squeeze %dma_start3A_357 : memref<1x4x100000xf32, #tpu.memory_space<any>> -> memref<4x100000xf32, #tpu.memory_space<any>>
      tpu.enqueue_dma source(%dma_start3A_358 : memref<4x100000xf32, #tpu.memory_space<any>>) target(%dma_start3A_354 : memref<4x100000xf32, #tpu.memory_space<vmem>>) target_semaphore(%dma_start3A_350 : memref<!tpu.dma_semaphore, #tpu.memory_space<semaphore_mem>>)
      %dma_start3A_359 = arith.constant 0 : i32
      %dma_start3A_360 = arith.constant 0 : i32
      %dma_start3A_361 = arith.constant 0 : i32
      %dma_start3A_362 = tpu.memref_slice %arg11[%dma_start3A_361] : memref<3x!tpu.dma_semaphore, #tpu.memory_space<semaphore_mem>> -> memref<1x!tpu.dma_semaphore, #tpu.memory_space<semaphore_mem>>
      %dma_start3A_363 = tpu.memref_squeeze %dma_start3A_362 : memref<1x!tpu.dma_semaphore, #tpu.memory_space<semaphore_mem>> -> memref<!tpu.dma_semaphore, #tpu.memory_space<semaphore_mem>>
      %dma_start3A_364 = arith.constant 0 : i32
      %dma_start3A_365 = arith.constant 0 : i32
      %dma_start3A_366 = tpu.memref_slice %arg9[%dma_start3A_360, %dma_start3A_364, %dma_start3A_365] : memref<3x4x100000xf32, #tpu.memory_space<vmem>> -> memref<1x4x100000xf32, #tpu.memory_space<vmem>>
      %dma_start3A_367 = tpu.memref_squeeze %dma_start3A_366 : memref<1x4x100000xf32, #tpu.memory_space<vmem>> -> memref<4x100000xf32, #tpu.memory_space<vmem>>
      %dma_start3A_368 = arith.constant 0 : i32
      %dma_start3A_369 = arith.constant 0 : i32
      %dma_start3A_370 = tpu.memref_slice %arg4[%dma_start3A_359, %dma_start3A_368, %dma_start3A_369] : memref<32x4x100000xf32, #tpu.memory_space<any>> -> memref<1x4x100000xf32, #tpu.memory_space<any>>
      %dma_start3A_371 = tpu.memref_squeeze %dma_start3A_370 : memref<1x4x100000xf32, #tpu.memory_space<any>> -> memref<4x100000xf32, #tpu.memory_space<any>>
      tpu.enqueue_dma source(%dma_start3A_371 : memref<4x100000xf32, #tpu.memory_space<any>>) target(%dma_start3A_367 : memref<4x100000xf32, #tpu.memory_space<vmem>>) target_semaphore(%dma_start3A_363 : memref<!tpu.dma_semaphore, #tpu.memory_space<semaphore_mem>>)
      %dma_start3A_372 = arith.constant 0 : i32
      %dma_start3A_373 = arith.constant 0 : i32
      %dma_start3A_374 = arith.constant 0 : i32
      %dma_start3A_375 = tpu.memref_slice %arg11[%dma_start3A_374] : memref<3x!tpu.dma_semaphore, #tpu.memory_space<semaphore_mem>> -> memref<1x!tpu.dma_semaphore, #tpu.memory_space<semaphore_mem>>
      %dma_start3A_376 = tpu.memref_squeeze %dma_start3A_375 : memref<1x!tpu.dma_semaphore, #tpu.memory_space<semaphore_mem>> -> memref<!tpu.dma_semaphore, #tpu.memory_space<semaphore_mem>>
      %dma_start3A_377 = arith.constant 0 : i32
      %dma_start3A_378 = arith.constant 0 : i32
      %dma_start3A_379 = tpu.memref_slice %arg10[%dma_start3A_373, %dma_start3A_377, %dma_start3A_378] : memref<3x4x100000xf32, #tpu.memory_space<vmem>> -> memref<1x4x100000xf32, #tpu.memory_space<vmem>>
      %dma_start3A_380 = tpu.memref_squeeze %dma_start3A_379 : memref<1x4x100000xf32, #tpu.memory_space<vmem>> -> memref<4x100000xf32, #tpu.memory_space<vmem>>
      %dma_start3A_381 = arith.constant 0 : i32
      %dma_start3A_382 = arith.constant 0 : i32
      %dma_start3A_383 = tpu.memref_slice %arg5[%dma_start3A_372, %dma_start3A_381, %dma_start3A_382] : memref<32x4x100000xf32, #tpu.memory_space<any>> -> memref<1x4x100000xf32, #tpu.memory_space<any>>
      %dma_start3A_384 = tpu.memref_squeeze %dma_start3A_383 : memref<1x4x100000xf32, #tpu.memory_space<any>> -> memref<4x100000xf32, #tpu.memory_space<any>>
      tpu.enqueue_dma source(%dma_start3A_384 : memref<4x100000xf32, #tpu.memory_space<any>>) target(%dma_start3A_380 : memref<4x100000xf32, #tpu.memory_space<vmem>>) target_semaphore(%dma_start3A_376 : memref<!tpu.dma_semaphore, #tpu.memory_space<semaphore_mem>>)
      %dma_start3A_385 = arith.constant 1 : i32
      %dma_start3A_386 = arith.constant 1 : i32
      %dma_start3A_387 = arith.constant 1 : i32
      %dma_start3A_388 = tpu.memref_slice %arg11[%dma_start3A_387] : memref<3x!tpu.dma_semaphore, #tpu.memory_space<semaphore_mem>> -> memref<1x!tpu.dma_semaphore, #tpu.memory_space<semaphore_mem>>
      %dma_start3A_389 = tpu.memref_squeeze %dma_start3A_388 : memref<1x!tpu.dma_semaphore, #tpu.memory_space<semaphore_mem>> -> memref<!tpu.dma_semaphore, #tpu.memory_space<semaphore_mem>>
      %dma_start3A_390 = arith.constant 0 : i32
      %dma_start3A_391 = arith.constant 0 : i32
      %dma_start3A_392 = tpu.memref_slice %arg8[%dma_start3A_386, %dma_start3A_390, %dma_start3A_391] : memref<3x4x100000xf32, #tpu.memory_space<vmem>> -> memref<1x4x100000xf32, #tpu.memory_space<vmem>>
      %dma_start3A_393 = tpu.memref_squeeze %dma_start3A_392 : memref<1x4x100000xf32, #tpu.memory_space<vmem>> -> memref<4x100000xf32, #tpu.memory_space<vmem>>
      %dma_start3A_394 = arith.constant 0 : i32
      %dma_start3A_395 = arith.constant 0 : i32
      %dma_start3A_396 = tpu.memref_slice %arg3[%dma_start3A_385, %dma_start3A_394, %dma_start3A_395] : memref<32x5x100000xf32, #tpu.memory_space<any>> -> memref<1x4x100000xf32, #tpu.memory_space<any>>
      %dma_start3A_397 = tpu.memref_squeeze %dma_start3A_396 : memref<1x4x100000xf32, #tpu.memory_space<any>> -> memref<4x100000xf32, #tpu.memory_space<any>>
      tpu.enqueue_dma source(%dma_start3A_397 : memref<4x100000xf32, #tpu.memory_space<any>>) target(%dma_start3A_393 : memref<4x100000xf32, #tpu.memory_space<vmem>>) target_semaphore(%dma_start3A_389 : memref<!tpu.dma_semaphore, #tpu.memory_space<semaphore_mem>>)
      %dma_start3A_398 = arith.constant 1 : i32
      %dma_start3A_399 = arith.constant 1 : i32
      %dma_start3A_400 = arith.constant 1 : i32
      %dma_start3A_401 = tpu.memref_slice %arg11[%dma_start3A_400] : memref<3x!tpu.dma_semaphore, #tpu.memory_space<semaphore_mem>> -> memref<1x!tpu.dma_semaphore, #tpu.memory_space<semaphore_mem>>
      %dma_start3A_402 = tpu.memref_squeeze %dma_start3A_401 : memref<1x!tpu.dma_semaphore, #tpu.memory_space<semaphore_mem>> -> memref<!tpu.dma_semaphore, #tpu.memory_space<semaphore_mem>>
      %dma_start3A_403 = arith.constant 0 : i32
      %dma_start3A_404 = arith.constant 0 : i32
      %dma_start3A_405 = tpu.memref_slice %arg9[%dma_start3A_399, %dma_start3A_403, %dma_start3A_404] : memref<3x4x100000xf32, #tpu.memory_space<vmem>> -> memref<1x4x100000xf32, #tpu.memory_space<vmem>>
      %dma_start3A_406 = tpu.memref_squeeze %dma_start3A_405 : memref<1x4x100000xf32, #tpu.memory_space<vmem>> -> memref<4x100000xf32, #tpu.memory_space<vmem>>
      %dma_start3A_407 = arith.constant 0 : i32
      %dma_start3A_408 = arith.constant 0 : i32
      %dma_start3A_409 = tpu.memref_slice %arg4[%dma_start3A_398, %dma_start3A_407, %dma_start3A_408] : memref<32x4x100000xf32, #tpu.memory_space<any>> -> memref<1x4x100000xf32, #tpu.memory_space<any>>
      %dma_start3A_410 = tpu.memref_squeeze %dma_start3A_409 : memref<1x4x100000xf32, #tpu.memory_space<any>> -> memref<4x100000xf32, #tpu.memory_space<any>>
      tpu.enqueue_dma source(%dma_start3A_410 : memref<4x100000xf32, #tpu.memory_space<any>>) target(%dma_start3A_406 : memref<4x100000xf32, #tpu.memory_space<vmem>>) target_semaphore(%dma_start3A_402 : memref<!tpu.dma_semaphore, #tpu.memory_space<semaphore_mem>>)
      %dma_start3A_411 = arith.constant 1 : i32
      %dma_start3A_412 = arith.constant 1 : i32
      %dma_start3A_413 = arith.constant 1 : i32
      %dma_start3A_414 = tpu.memref_slice %arg11[%dma_start3A_413] : memref<3x!tpu.dma_semaphore, #tpu.memory_space<semaphore_mem>> -> memref<1x!tpu.dma_semaphore, #tpu.memory_space<semaphore_mem>>
      %dma_start3A_415 = tpu.memref_squeeze %dma_start3A_414 : memref<1x!tpu.dma_semaphore, #tpu.memory_space<semaphore_mem>> -> memref<!tpu.dma_semaphore, #tpu.memory_space<semaphore_mem>>
      %dma_start3A_416 = arith.constant 0 : i32
      %dma_start3A_417 = arith.constant 0 : i32
      %dma_start3A_418 = tpu.memref_slice %arg10[%dma_start3A_412, %dma_start3A_416, %dma_start3A_417] : memref<3x4x100000xf32, #tpu.memory_space<vmem>> -> memref<1x4x100000xf32, #tpu.memory_space<vmem>>
      %dma_start3A_419 = tpu.memref_squeeze %dma_start3A_418 : memref<1x4x100000xf32, #tpu.memory_space<vmem>> -> memref<4x100000xf32, #tpu.memory_space<vmem>>
      %dma_start3A_420 = arith.constant 0 : i32
      %dma_start3A_421 = arith.constant 0 : i32
      %dma_start3A_422 = tpu.memref_slice %arg5[%dma_start3A_411, %dma_start3A_420, %dma_start3A_421] : memref<32x4x100000xf32, #tpu.memory_space<any>> -> memref<1x4x100000xf32, #tpu.memory_space<any>>
      %dma_start3A_423 = tpu.memref_squeeze %dma_start3A_422 : memref<1x4x100000xf32, #tpu.memory_space<any>> -> memref<4x100000xf32, #tpu.memory_space<any>>
      tpu.enqueue_dma source(%dma_start3A_423 : memref<4x100000xf32, #tpu.memory_space<any>>) target(%dma_start3A_419 : memref<4x100000xf32, #tpu.memory_space<vmem>>) target_semaphore(%dma_start3A_415 : memref<!tpu.dma_semaphore, #tpu.memory_space<semaphore_mem>>)
    } else {
    }
    %rem3A = arith.constant 3 : i32
    %rem3A_2 = arith.remsi %arg0, %rem3A : i32
    %add3A = arith.constant 3 : i32
    %add3A_3 = arith.addi %arg0, %add3A : i32
    %sub3A = arith.constant 1 : i32
    %sub3A_4 = arith.subi %add3A_3, %sub3A : i32
    %lt3A = arith.constant 32 : i32
    %lt3A_5 = arith.cmpi slt, %sub3A_4, %lt3A : i32
    %convert_element_type3A_6 = arith.extui %lt3A_5 : i1 to i32
    %cond3A_7 = arith.constant 0 : i32
    %cond3A_8 = arith.cmpi ne, %convert_element_type3A_6, %cond3A_7 : i32
    scf.if %cond3A_8 {
      %add3A_347 = arith.constant 3 : i32
      %add3A_348 = arith.addi %arg0, %add3A_347 : i32
      %sub3A_349 = arith.constant 1 : i32
      %sub3A_350 = arith.subi %add3A_348, %sub3A_349 : i32
      %add3A_351 = arith.constant 3 : i32
      %add3A_352 = arith.addi %arg0, %add3A_351 : i32
      %sub3A_353 = arith.constant 1 : i32
      %sub3A_354 = arith.subi %add3A_352, %sub3A_353 : i32
      %rem3A_355 = arith.constant 3 : i32
      %rem3A_356 = arith.remsi %sub3A_354, %rem3A_355 : i32
      %dma_start3A = tpu.memref_slice %arg11[%rem3A_356] : memref<3x!tpu.dma_semaphore, #tpu.memory_space<semaphore_mem>> -> memref<1x!tpu.dma_semaphore, #tpu.memory_space<semaphore_mem>>
      %dma_start3A_357 = tpu.memref_squeeze %dma_start3A : memref<1x!tpu.dma_semaphore, #tpu.memory_space<semaphore_mem>> -> memref<!tpu.dma_semaphore, #tpu.memory_space<semaphore_mem>>
      %dma_start3A_358 = arith.constant 0 : i32
      %dma_start3A_359 = arith.constant 0 : i32
      %dma_start3A_360 = tpu.memref_slice %arg8[%rem3A_356, %dma_start3A_358, %dma_start3A_359] : memref<3x4x100000xf32, #tpu.memory_space<vmem>> -> memref<1x4x100000xf32, #tpu.memory_space<vmem>>
      %dma_start3A_361 = tpu.memref_squeeze %dma_start3A_360 : memref<1x4x100000xf32, #tpu.memory_space<vmem>> -> memref<4x100000xf32, #tpu.memory_space<vmem>>
      %dma_start3A_362 = arith.constant 0 : i32
      %dma_start3A_363 = arith.constant 0 : i32
      %dma_start3A_364 = tpu.memref_slice %arg3[%sub3A_350, %dma_start3A_362, %dma_start3A_363] : memref<32x5x100000xf32, #tpu.memory_space<any>> -> memref<1x4x100000xf32, #tpu.memory_space<any>>
      %dma_start3A_365 = tpu.memref_squeeze %dma_start3A_364 : memref<1x4x100000xf32, #tpu.memory_space<any>> -> memref<4x100000xf32, #tpu.memory_space<any>>
      tpu.enqueue_dma source(%dma_start3A_365 : memref<4x100000xf32, #tpu.memory_space<any>>) target(%dma_start3A_361 : memref<4x100000xf32, #tpu.memory_space<vmem>>) target_semaphore(%dma_start3A_357 : memref<!tpu.dma_semaphore, #tpu.memory_space<semaphore_mem>>)
      %dma_start3A_366 = tpu.memref_slice %arg11[%rem3A_356] : memref<3x!tpu.dma_semaphore, #tpu.memory_space<semaphore_mem>> -> memref<1x!tpu.dma_semaphore, #tpu.memory_space<semaphore_mem>>
      %dma_start3A_367 = tpu.memref_squeeze %dma_start3A_366 : memref<1x!tpu.dma_semaphore, #tpu.memory_space<semaphore_mem>> -> memref<!tpu.dma_semaphore, #tpu.memory_space<semaphore_mem>>
      %dma_start3A_368 = arith.constant 0 : i32
      %dma_start3A_369 = arith.constant 0 : i32
      %dma_start3A_370 = tpu.memref_slice %arg9[%rem3A_356, %dma_start3A_368, %dma_start3A_369] : memref<3x4x100000xf32, #tpu.memory_space<vmem>> -> memref<1x4x100000xf32, #tpu.memory_space<vmem>>
      %dma_start3A_371 = tpu.memref_squeeze %dma_start3A_370 : memref<1x4x100000xf32, #tpu.memory_space<vmem>> -> memref<4x100000xf32, #tpu.memory_space<vmem>>
      %dma_start3A_372 = arith.constant 0 : i32
      %dma_start3A_373 = arith.constant 0 : i32
      %dma_start3A_374 = tpu.memref_slice %arg4[%sub3A_350, %dma_start3A_372, %dma_start3A_373] : memref<32x4x100000xf32, #tpu.memory_space<any>> -> memref<1x4x100000xf32, #tpu.memory_space<any>>
      %dma_start3A_375 = tpu.memref_squeeze %dma_start3A_374 : memref<1x4x100000xf32, #tpu.memory_space<any>> -> memref<4x100000xf32, #tpu.memory_space<any>>
      tpu.enqueue_dma source(%dma_start3A_375 : memref<4x100000xf32, #tpu.memory_space<any>>) target(%dma_start3A_371 : memref<4x100000xf32, #tpu.memory_space<vmem>>) target_semaphore(%dma_start3A_367 : memref<!tpu.dma_semaphore, #tpu.memory_space<semaphore_mem>>)
      %dma_start3A_376 = tpu.memref_slice %arg11[%rem3A_356] : memref<3x!tpu.dma_semaphore, #tpu.memory_space<semaphore_mem>> -> memref<1x!tpu.dma_semaphore, #tpu.memory_space<semaphore_mem>>
      %dma_start3A_377 = tpu.memref_squeeze %dma_start3A_376 : memref<1x!tpu.dma_semaphore, #tpu.memory_space<semaphore_mem>> -> memref<!tpu.dma_semaphore, #tpu.memory_space<semaphore_mem>>
      %dma_start3A_378 = arith.constant 0 : i32
      %dma_start3A_379 = arith.constant 0 : i32
      %dma_start3A_380 = tpu.memref_slice %arg10[%rem3A_356, %dma_start3A_378, %dma_start3A_379] : memref<3x4x100000xf32, #tpu.memory_space<vmem>> -> memref<1x4x100000xf32, #tpu.memory_space<vmem>>
      %dma_start3A_381 = tpu.memref_squeeze %dma_start3A_380 : memref<1x4x100000xf32, #tpu.memory_space<vmem>> -> memref<4x100000xf32, #tpu.memory_space<vmem>>
      %dma_start3A_382 = arith.constant 0 : i32
      %dma_start3A_383 = arith.constant 0 : i32
      %dma_start3A_384 = tpu.memref_slice %arg5[%sub3A_350, %dma_start3A_382, %dma_start3A_383] : memref<32x4x100000xf32, #tpu.memory_space<any>> -> memref<1x4x100000xf32, #tpu.memory_space<any>>
      %dma_start3A_385 = tpu.memref_squeeze %dma_start3A_384 : memref<1x4x100000xf32, #tpu.memory_space<any>> -> memref<4x100000xf32, #tpu.memory_space<any>>
      tpu.enqueue_dma source(%dma_start3A_385 : memref<4x100000xf32, #tpu.memory_space<any>>) target(%dma_start3A_381 : memref<4x100000xf32, #tpu.memory_space<vmem>>) target_semaphore(%dma_start3A_377 : memref<!tpu.dma_semaphore, #tpu.memory_space<semaphore_mem>>)
    } else {
    }
    %dma_wait3A = tpu.memref_slice %arg11[%rem3A_2] : memref<3x!tpu.dma_semaphore, #tpu.memory_space<semaphore_mem>> -> memref<1x!tpu.dma_semaphore, #tpu.memory_space<semaphore_mem>>
    %dma_wait3A_9 = tpu.memref_squeeze %dma_wait3A : memref<1x!tpu.dma_semaphore, #tpu.memory_space<semaphore_mem>> -> memref<!tpu.dma_semaphore, #tpu.memory_space<semaphore_mem>>
    %dma_wait3A_10 = arith.constant 0 : i32
    %dma_wait3A_11 = arith.constant 0 : i32
    %dma_wait3A_12 = tpu.memref_slice %arg8[%rem3A_2, %dma_wait3A_10, %dma_wait3A_11] : memref<3x4x100000xf32, #tpu.memory_space<vmem>> -> memref<1x4x100000xf32, #tpu.memory_space<vmem>>
    %dma_wait3A_13 = tpu.memref_squeeze %dma_wait3A_12 : memref<1x4x100000xf32, #tpu.memory_space<vmem>> -> memref<4x100000xf32, #tpu.memory_space<vmem>>
    %dma_wait3A_14 = arith.constant 0 : i32
    %dma_wait3A_15 = arith.constant 0 : i32
    %dma_wait3A_16 = tpu.memref_slice %arg3[%arg0, %dma_wait3A_14, %dma_wait3A_15] : memref<32x5x100000xf32, #tpu.memory_space<any>> -> memref<1x4x100000xf32, #tpu.memory_space<any>>
    %dma_wait3A_17 = tpu.memref_squeeze %dma_wait3A_16 : memref<1x4x100000xf32, #tpu.memory_space<any>> -> memref<4x100000xf32, #tpu.memory_space<any>>
    tpu.wait_dma2 semaphore(%dma_wait3A_9 : memref<!tpu.dma_semaphore, #tpu.memory_space<semaphore_mem>>) src(%dma_wait3A_17 : memref<4x100000xf32, #tpu.memory_space<any>>) dst(%dma_wait3A_13 : memref<4x100000xf32, #tpu.memory_space<vmem>>)
    %dma_wait3A_18 = tpu.memref_slice %arg11[%rem3A_2] : memref<3x!tpu.dma_semaphore, #tpu.memory_space<semaphore_mem>> -> memref<1x!tpu.dma_semaphore, #tpu.memory_space<semaphore_mem>>
    %dma_wait3A_19 = tpu.memref_squeeze %dma_wait3A_18 : memref<1x!tpu.dma_semaphore, #tpu.memory_space<semaphore_mem>> -> memref<!tpu.dma_semaphore, #tpu.memory_space<semaphore_mem>>
    %dma_wait3A_20 = arith.constant 0 : i32
    %dma_wait3A_21 = arith.constant 0 : i32
    %dma_wait3A_22 = tpu.memref_slice %arg9[%rem3A_2, %dma_wait3A_20, %dma_wait3A_21] : memref<3x4x100000xf32, #tpu.memory_space<vmem>> -> memref<1x4x100000xf32, #tpu.memory_space<vmem>>
    %dma_wait3A_23 = tpu.memref_squeeze %dma_wait3A_22 : memref<1x4x100000xf32, #tpu.memory_space<vmem>> -> memref<4x100000xf32, #tpu.memory_space<vmem>>
    %dma_wait3A_24 = arith.constant 0 : i32
    %dma_wait3A_25 = arith.constant 0 : i32
    %dma_wait3A_26 = tpu.memref_slice %arg4[%arg0, %dma_wait3A_24, %dma_wait3A_25] : memref<32x4x100000xf32, #tpu.memory_space<any>> -> memref<1x4x100000xf32, #tpu.memory_space<any>>
    %dma_wait3A_27 = tpu.memref_squeeze %dma_wait3A_26 : memref<1x4x100000xf32, #tpu.memory_space<any>> -> memref<4x100000xf32, #tpu.memory_space<any>>
    tpu.wait_dma2 semaphore(%dma_wait3A_19 : memref<!tpu.dma_semaphore, #tpu.memory_space<semaphore_mem>>) src(%dma_wait3A_27 : memref<4x100000xf32, #tpu.memory_space<any>>) dst(%dma_wait3A_23 : memref<4x100000xf32, #tpu.memory_space<vmem>>)
    %dma_wait3A_28 = tpu.memref_slice %arg11[%rem3A_2] : memref<3x!tpu.dma_semaphore, #tpu.memory_space<semaphore_mem>> -> memref<1x!tpu.dma_semaphore, #tpu.memory_space<semaphore_mem>>
    %dma_wait3A_29 = tpu.memref_squeeze %dma_wait3A_28 : memref<1x!tpu.dma_semaphore, #tpu.memory_space<semaphore_mem>> -> memref<!tpu.dma_semaphore, #tpu.memory_space<semaphore_mem>>
    %dma_wait3A_30 = arith.constant 0 : i32
    %dma_wait3A_31 = arith.constant 0 : i32
    %dma_wait3A_32 = tpu.memref_slice %arg10[%rem3A_2, %dma_wait3A_30, %dma_wait3A_31] : memref<3x4x100000xf32, #tpu.memory_space<vmem>> -> memref<1x4x100000xf32, #tpu.memory_space<vmem>>
    %dma_wait3A_33 = tpu.memref_squeeze %dma_wait3A_32 : memref<1x4x100000xf32, #tpu.memory_space<vmem>> -> memref<4x100000xf32, #tpu.memory_space<vmem>>
    %dma_wait3A_34 = arith.constant 0 : i32
    %dma_wait3A_35 = arith.constant 0 : i32
    %dma_wait3A_36 = tpu.memref_slice %arg5[%arg0, %dma_wait3A_34, %dma_wait3A_35] : memref<32x4x100000xf32, #tpu.memory_space<any>> -> memref<1x4x100000xf32, #tpu.memory_space<any>>
    %dma_wait3A_37 = tpu.memref_squeeze %dma_wait3A_36 : memref<1x4x100000xf32, #tpu.memory_space<any>> -> memref<4x100000xf32, #tpu.memory_space<any>>
    tpu.wait_dma2 semaphore(%dma_wait3A_29 : memref<!tpu.dma_semaphore, #tpu.memory_space<semaphore_mem>>) src(%dma_wait3A_37 : memref<4x100000xf32, #tpu.memory_space<any>>) dst(%dma_wait3A_33 : memref<4x100000xf32, #tpu.memory_space<vmem>>)
    %get3A = arith.index_cast %rem3A_2 : i32 to index
    %get3A_38 = arith.constant 0 : index
    %get3A_39 = arith.constant 0 : index
    %get3A_40 = vector.load %arg8[%get3A, %get3A_38, %get3A_39] : memref<3x4x100000xf32, #tpu.memory_space<vmem>>, vector<1x4x100000xf32>
    %get3A_41 = vector.shape_cast %get3A_40 : vector<1x4x100000xf32> to vector<4x100000xf32>
    %get3A_42 = arith.index_cast %rem3A_2 : i32 to index
    %get3A_43 = arith.constant 0 : index
    %get3A_44 = arith.constant 0 : index
    %get3A_45 = vector.load %arg9[%get3A_42, %get3A_43, %get3A_44] : memref<3x4x100000xf32, #tpu.memory_space<vmem>>, vector<1x4x100000xf32>
    %get3A_46 = vector.shape_cast %get3A_45 : vector<1x4x100000xf32> to vector<4x100000xf32>
    %get3A_47 = arith.index_cast %rem3A_2 : i32 to index
    %get3A_48 = arith.constant 0 : index
    %get3A_49 = arith.constant 0 : index
    %get3A_50 = vector.load %arg10[%get3A_47, %get3A_48, %get3A_49] : memref<3x4x100000xf32, #tpu.memory_space<vmem>>, vector<1x4x100000xf32>
    %get3A_51 = vector.shape_cast %get3A_50 : vector<1x4x100000xf32> to vector<4x100000xf32>
    %sub3A_52 = arith.subf %get3A_41, %get3A_46 : vector<4x100000xf32>
    %max3A = arith.constant 0.000000e+00 : f32
    %max3A_53 = vector.broadcast %max3A : f32 to vector<4x100000xf32>
    %max3A_54 = arith.maximumf %sub3A_52, %max3A_53 : vector<4x100000xf32>
    %div3A = arith.divf %max3A_54, %get3A_51 : vector<4x100000xf32>
    %reduce_max3A = arith.constant dense<0xFF800000> : vector<4xf32>
    %reduce_max3A_55 = vector.multi_reduction <maximumf>, %div3A, %reduce_max3A [1] : vector<4x100000xf32> to vector<4xf32>
    %broadcast_in_dim3A = vector.shape_cast %reduce_max3A_55 : vector<4xf32> to vector<4x1xf32>
    %iota3A = tpu.iota {dimensions = array<i32: 1>} : vector<4x100000xi32>
    %eq3A_56 = vector.broadcast %broadcast_in_dim3A : vector<4x1xf32> to vector<4x100000xf32>
    %eq3A_57 = arith.cmpf oeq, %div3A, %eq3A_56 : vector<4x100000xf32>
    %jit3A = arith.constant 100000 : i32
    %broadcast_in_dim3A_58 = vector.broadcast %jit3A : i32 to vector<4x100000xi32>
    %select_n3A = arith.select %eq3A_57, %iota3A, %broadcast_in_dim3A_58 : vector<4x100000xi1>, vector<4x100000xi32>
    %reduce_min3A = arith.constant dense<2147483647> : vector<4xi32>
    %reduce_min3A_59 = vector.multi_reduction <minsi>, %select_n3A, %reduce_min3A [1] : vector<4x100000xi32> to vector<4xi32>
    %broadcast_in_dim3A_60 = vector.shape_cast %reduce_min3A_59 : vector<4xi32> to vector<4x1xi32>
    %swap3A = arith.constant 0 : index
    %swap3A_61 = arith.constant 0 : index
    %swap3A_62 = arith.constant 0 : index
    %swap3A_63 = vector.load %arg6[%swap3A, %swap3A_61, %swap3A_62] : memref<1x4x1xi32, #tpu.memory_space<vmem>>, vector<1x4x1xi32>
    %swap3A_64 = vector.shape_cast %swap3A_63 : vector<1x4x1xi32> to vector<4x1xi32>
    %swap3A_65 = vector.shape_cast %broadcast_in_dim3A_60 : vector<4x1xi32> to vector<1x4x1xi32>
    tpu.vector_store %arg6[%swap3A, %swap3A_61, %swap3A_62], %swap3A_65 {strides = array<i32>} : memref<1x4x1xi32, #tpu.memory_space<vmem>>, vector<1x4x1xi32>,
    %iota3A_66 = tpu.iota {dimensions = array<i32: 1>} : vector<1x128xi32>
    %get3A_67 = arith.index_cast %arg0 : i32 to index
    %get3A_68 = arith.constant 0 : index
    %get3A_69 = memref.load %arg1[%get3A_67, %get3A_68] : memref<32x4xi32, #tpu.memory_space<smem>>
    %jit3A_70 = arith.constant 128 : i32
    %div3A_71 = arith.divsi %get3A_69, %jit3A_70 : i32
    %sign3A = arith.constant 0 : i32
    %sign3A_72 = arith.cmpi sgt, %get3A_69, %sign3A : i32
    %sign3A_73 = arith.extui %sign3A_72 : i1 to i32
    %sign3A_74 = arith.constant 0 : i32
    %sign3A_75 = arith.cmpi slt, %get3A_69, %sign3A_74 : i32
    %sign3A_76 = arith.extui %sign3A_75 : i1 to i32
    %sign3A_77 = arith.subi %sign3A_73, %sign3A_76 : i32
    %sign3A_78 = arith.constant 0 : i32
    %sign3A_79 = arith.cmpi sgt, %jit3A_70, %sign3A_78 : i32
    %sign3A_80 = arith.extui %sign3A_79 : i1 to i32
    %sign3A_81 = arith.constant 0 : i32
    %sign3A_82 = arith.cmpi slt, %jit3A_70, %sign3A_81 : i32
    %sign3A_83 = arith.extui %sign3A_82 : i1 to i32
    %sign3A_84 = arith.subi %sign3A_80, %sign3A_83 : i32
    %ne3A = arith.cmpi ne, %sign3A_77, %sign3A_84 : i32
    %rem3A_85 = arith.remsi %get3A_69, %jit3A_70 : i32
    %ne3A_86 = arith.constant 0 : i32
    %ne3A_87 = arith.cmpi ne, %rem3A_85, %ne3A_86 : i32
    %and3A = arith.andi %ne3A, %ne3A_87 : i1
    %sub3A_88 = arith.constant 1 : i32
    %sub3A_89 = arith.subi %div3A_71, %sub3A_88 : i32
    %select_n3A_90 = arith.select %and3A, %sub3A_89, %div3A_71 : i32
    %mul3A = arith.constant 128 : i32
    %mul3A_91 = arith.muli %select_n3A_90, %mul3A : i32
    %multiple_of3A = tpu.assume_multiple %mul3A_91, 128 : i32
    %sub3A_92 = arith.subi %get3A_69, %multiple_of3A : i32
    %get3A_93 = arith.index_cast %rem3A_2 : i32 to index
    %get3A_94 = arith.constant 0 : index
    %get3A_95 = arith.index_cast %multiple_of3A : i32 to index
    %get3A_96 = vector.load %arg9[%get3A_93, %get3A_94, %get3A_95] : memref<3x4x100000xf32, #tpu.memory_space<vmem>>, vector<1x1x128xf32>
    %get3A_97 = vector.shape_cast %get3A_96 : vector<1x1x128xf32> to vector<128xf32>
    %reshape3A = vector.shape_cast %get3A_97 : vector<128xf32> to vector<1x128xf32>
    %get3A_98 = arith.index_cast %rem3A_2 : i32 to index
    %get3A_99 = arith.constant 0 : index
    %get3A_100 = arith.index_cast %multiple_of3A : i32 to index
    %get3A_101 = vector.load %arg8[%get3A_98, %get3A_99, %get3A_100] : memref<3x4x100000xf32, #tpu.memory_space<vmem>>, vector<1x1x128xf32>
    %get3A_102 = vector.shape_cast %get3A_101 : vector<1x1x128xf32> to vector<128xf32>
    %reshape3A_103 = vector.shape_cast %get3A_102 : vector<128xf32> to vector<1x128xf32>
    %eq3A_104 = vector.broadcast %sub3A_92 : i32 to vector<1x128xi32>
    %eq3A_105 = arith.cmpi eq, %iota3A_66, %eq3A_104 : vector<1x128xi32>
    %jit3A_106 = arith.constant 0.000000e+00 : f32
    %broadcast_in_dim3A_107 = vector.broadcast %jit3A_106 : f32 to vector<1x128xf32>
    %select_n3A_108 = arith.select %eq3A_105, %reshape3A, %broadcast_in_dim3A_107 : vector<1x128xi1>, vector<1x128xf32>
    %reduce_sum3A = arith.constant dense<0.000000e+00> : vector<1xf32>
    %reduce_sum3A_109 = vector.multi_reduction <add>, %select_n3A_108, %reduce_sum3A [1] : vector<1x128xf32> to vector<1xf32>
    %jit3A_110 = arith.constant 0.000000e+00 : f32
    %broadcast_in_dim3A_111 = vector.broadcast %jit3A_110 : f32 to vector<1x128xf32>
    %select_n3A_112 = arith.select %eq3A_105, %reshape3A_103, %broadcast_in_dim3A_111 : vector<1x128xi1>, vector<1x128xf32>
    %reduce_sum3A_113 = arith.constant dense<0.000000e+00> : vector<1xf32>
    %reduce_sum3A_114 = vector.multi_reduction <add>, %select_n3A_112, %reduce_sum3A_113 [1] : vector<1x128xf32> to vector<1xf32>
    %get3A_115 = arith.index_cast %arg0 : i32 to index
    %get3A_116 = arith.constant 0 : index
    %get3A_117 = memref.load %arg2[%get3A_115, %get3A_116] : memref<32x4xf32, #tpu.memory_space<smem>>
    %mul3A_118 = vector.broadcast %get3A_117 : f32 to vector<1xf32>
    %mul3A_119 = arith.mulf %mul3A_118, %reduce_sum3A_109 : vector<1xf32>
    %le3A = arith.cmpf ole, %mul3A_119, %reduce_sum3A_114 : vector<1xf32>
    %jit3A_120 = arith.constant 1 : i32
    %jit3A_121 = arith.constant 0 : i32
    %broadcast_in_dim3A_122 = vector.broadcast %jit3A_120 : i32 to vector<1xi32>
    %broadcast_in_dim3A_123 = vector.broadcast %jit3A_121 : i32 to vector<1xi32>
    %select_n3A_124 = arith.select %le3A, %broadcast_in_dim3A_122, %broadcast_in_dim3A_123 : vector<1xi1>, vector<1xi32>
    %swap3A_125 = arith.constant 0 : index
    %swap3A_126 = arith.constant 0 : index
    %swap3A_127 = arith.constant 0 : index
    %swap3A_128 = vector.load %arg7[%swap3A_125, %swap3A_126, %swap3A_127] : memref<1x4x1xi32, #tpu.memory_space<vmem>>, vector<1x1x1xi32>
    %swap3A_129 = vector.shape_cast %swap3A_128 : vector<1x1x1xi32> to vector<1xi32>
    %swap3A_130 = vector.shape_cast %select_n3A_124 : vector<1xi32> to vector<1x1x1xi32>
    tpu.vector_store %arg7[%swap3A_125, %swap3A_126, %swap3A_127], %swap3A_130 {strides = array<i32>} : memref<1x4x1xi32, #tpu.memory_space<vmem>>, vector<1x1x1xi32>,
    %get3A_131 = arith.index_cast %arg0 : i32 to index
    %get3A_132 = arith.constant 1 : index
    %get3A_133 = memref.load %arg1[%get3A_131, %get3A_132] : memref<32x4xi32, #tpu.memory_space<smem>>
    %jit3A_134 = arith.constant 128 : i32
    %div3A_135 = arith.divsi %get3A_133, %jit3A_134 : i32
    %sign3A_136 = arith.constant 0 : i32
    %sign3A_137 = arith.cmpi sgt, %get3A_133, %sign3A_136 : i32
    %sign3A_138 = arith.extui %sign3A_137 : i1 to i32
    %sign3A_139 = arith.constant 0 : i32
    %sign3A_140 = arith.cmpi slt, %get3A_133, %sign3A_139 : i32
    %sign3A_141 = arith.extui %sign3A_140 : i1 to i32
    %sign3A_142 = arith.subi %sign3A_138, %sign3A_141 : i32
    %sign3A_143 = arith.constant 0 : i32
    %sign3A_144 = arith.cmpi sgt, %jit3A_134, %sign3A_143 : i32
    %sign3A_145 = arith.extui %sign3A_144 : i1 to i32
    %sign3A_146 = arith.constant 0 : i32
    %sign3A_147 = arith.cmpi slt, %jit3A_134, %sign3A_146 : i32
    %sign3A_148 = arith.extui %sign3A_147 : i1 to i32
    %sign3A_149 = arith.subi %sign3A_145, %sign3A_148 : i32
    %ne3A_150 = arith.cmpi ne, %sign3A_142, %sign3A_149 : i32
    %rem3A_151 = arith.remsi %get3A_133, %jit3A_134 : i32
    %ne3A_152 = arith.constant 0 : i32
    %ne3A_153 = arith.cmpi ne, %rem3A_151, %ne3A_152 : i32
    %and3A_154 = arith.andi %ne3A_150, %ne3A_153 : i1
    %sub3A_155 = arith.constant 1 : i32
    %sub3A_156 = arith.subi %div3A_135, %sub3A_155 : i32
    %select_n3A_157 = arith.select %and3A_154, %sub3A_156, %div3A_135 : i32
    %mul3A_158 = arith.constant 128 : i32
    %mul3A_159 = arith.muli %select_n3A_157, %mul3A_158 : i32
    %multiple_of3A_160 = tpu.assume_multiple %mul3A_159, 128 : i32
    %sub3A_161 = arith.subi %get3A_133, %multiple_of3A_160 : i32
    %get3A_162 = arith.index_cast %rem3A_2 : i32 to index
    %get3A_163 = arith.constant 1 : index
    %get3A_164 = arith.index_cast %multiple_of3A_160 : i32 to index
    %get3A_165 = vector.load %arg9[%get3A_162, %get3A_163, %get3A_164] : memref<3x4x100000xf32, #tpu.memory_space<vmem>>, vector<1x1x128xf32>
    %get3A_166 = vector.shape_cast %get3A_165 : vector<1x1x128xf32> to vector<128xf32>
    %reshape3A_167 = vector.shape_cast %get3A_166 : vector<128xf32> to vector<1x128xf32>
    %get3A_168 = arith.index_cast %rem3A_2 : i32 to index
    %get3A_169 = arith.constant 1 : index
    %get3A_170 = arith.index_cast %multiple_of3A_160 : i32 to index
    %get3A_171 = vector.load %arg8[%get3A_168, %get3A_169, %get3A_170] : memref<3x4x100000xf32, #tpu.memory_space<vmem>>, vector<1x1x128xf32>
    %get3A_172 = vector.shape_cast %get3A_171 : vector<1x1x128xf32> to vector<128xf32>
    %reshape3A_173 = vector.shape_cast %get3A_172 : vector<128xf32> to vector<1x128xf32>
    %eq3A_174 = vector.broadcast %sub3A_161 : i32 to vector<1x128xi32>
    %eq3A_175 = arith.cmpi eq, %iota3A_66, %eq3A_174 : vector<1x128xi32>
    %jit3A_176 = arith.constant 0.000000e+00 : f32
    %broadcast_in_dim3A_177 = vector.broadcast %jit3A_176 : f32 to vector<1x128xf32>
    %select_n3A_178 = arith.select %eq3A_175, %reshape3A_167, %broadcast_in_dim3A_177 : vector<1x128xi1>, vector<1x128xf32>
    %reduce_sum3A_179 = arith.constant dense<0.000000e+00> : vector<1xf32>
    %reduce_sum3A_180 = vector.multi_reduction <add>, %select_n3A_178, %reduce_sum3A_179 [1] : vector<1x128xf32> to vector<1xf32>
    %jit3A_181 = arith.constant 0.000000e+00 : f32
    %broadcast_in_dim3A_182 = vector.broadcast %jit3A_181 : f32 to vector<1x128xf32>
    %select_n3A_183 = arith.select %eq3A_175, %reshape3A_173, %broadcast_in_dim3A_182 : vector<1x128xi1>, vector<1x128xf32>
    %reduce_sum3A_184 = arith.constant dense<0.000000e+00> : vector<1xf32>
    %reduce_sum3A_185 = vector.multi_reduction <add>, %select_n3A_183, %reduce_sum3A_184 [1] : vector<1x128xf32> to vector<1xf32>
    %get3A_186 = arith.index_cast %arg0 : i32 to index
    %get3A_187 = arith.constant 1 : index
    %get3A_188 = memref.load %arg2[%get3A_186, %get3A_187] : memref<32x4xf32, #tpu.memory_space<smem>>
    %mul3A_189 = vector.broadcast %get3A_188 : f32 to vector<1xf32>
    %mul3A_190 = arith.mulf %mul3A_189, %reduce_sum3A_180 : vector<1xf32>
    %le3A_191 = arith.cmpf ole, %mul3A_190, %reduce_sum3A_185 : vector<1xf32>
    %jit3A_192 = arith.constant 1 : i32
    %jit3A_193 = arith.constant 0 : i32
    %broadcast_in_dim3A_194 = vector.broadcast %jit3A_192 : i32 to vector<1xi32>
    %broadcast_in_dim3A_195 = vector.broadcast %jit3A_193 : i32 to vector<1xi32>
    %select_n3A_196 = arith.select %le3A_191, %broadcast_in_dim3A_194, %broadcast_in_dim3A_195 : vector<1xi1>, vector<1xi32>
    %swap3A_197 = arith.constant 0 : index
    %swap3A_198 = arith.constant 1 : index
    %swap3A_199 = arith.constant 0 : index
    %swap3A_200 = vector.load %arg7[%swap3A_197, %swap3A_198, %swap3A_199] : memref<1x4x1xi32, #tpu.memory_space<vmem>>, vector<1x1x1xi32>
    %swap3A_201 = vector.shape_cast %swap3A_200 : vector<1x1x1xi32> to vector<1xi32>
    %swap3A_202 = vector.shape_cast %select_n3A_196 : vector<1xi32> to vector<1x1x1xi32>
    tpu.vector_store %arg7[%swap3A_197, %swap3A_198, %swap3A_199], %swap3A_202 {strides = array<i32>} : memref<1x4x1xi32, #tpu.memory_space<vmem>>, vector<1x1x1xi32>,
    %get3A_203 = arith.index_cast %arg0 : i32 to index
    %get3A_204 = arith.constant 2 : index
    %get3A_205 = memref.load %arg1[%get3A_203, %get3A_204] : memref<32x4xi32, #tpu.memory_space<smem>>
    %jit3A_206 = arith.constant 128 : i32
    %div3A_207 = arith.divsi %get3A_205, %jit3A_206 : i32
    %sign3A_208 = arith.constant 0 : i32
    %sign3A_209 = arith.cmpi sgt, %get3A_205, %sign3A_208 : i32
    %sign3A_210 = arith.extui %sign3A_209 : i1 to i32
    %sign3A_211 = arith.constant 0 : i32
    %sign3A_212 = arith.cmpi slt, %get3A_205, %sign3A_211 : i32
    %sign3A_213 = arith.extui %sign3A_212 : i1 to i32
    %sign3A_214 = arith.subi %sign3A_210, %sign3A_213 : i32
    %sign3A_215 = arith.constant 0 : i32
    %sign3A_216 = arith.cmpi sgt, %jit3A_206, %sign3A_215 : i32
    %sign3A_217 = arith.extui %sign3A_216 : i1 to i32
    %sign3A_218 = arith.constant 0 : i32
    %sign3A_219 = arith.cmpi slt, %jit3A_206, %sign3A_218 : i32
    %sign3A_220 = arith.extui %sign3A_219 : i1 to i32
    %sign3A_221 = arith.subi %sign3A_217, %sign3A_220 : i32
    %ne3A_222 = arith.cmpi ne, %sign3A_214, %sign3A_221 : i32
    %rem3A_223 = arith.remsi %get3A_205, %jit3A_206 : i32
    %ne3A_224 = arith.constant 0 : i32
    %ne3A_225 = arith.cmpi ne, %rem3A_223, %ne3A_224 : i32
    %and3A_226 = arith.andi %ne3A_222, %ne3A_225 : i1
    %sub3A_227 = arith.constant 1 : i32
    %sub3A_228 = arith.subi %div3A_207, %sub3A_227 : i32
    %select_n3A_229 = arith.select %and3A_226, %sub3A_228, %div3A_207 : i32
    %mul3A_230 = arith.constant 128 : i32
    %mul3A_231 = arith.muli %select_n3A_229, %mul3A_230 : i32
    %multiple_of3A_232 = tpu.assume_multiple %mul3A_231, 128 : i32
    %sub3A_233 = arith.subi %get3A_205, %multiple_of3A_232 : i32
    %get3A_234 = arith.index_cast %rem3A_2 : i32 to index
    %get3A_235 = arith.constant 2 : index
    %get3A_236 = arith.index_cast %multiple_of3A_232 : i32 to index
    %get3A_237 = vector.load %arg9[%get3A_234, %get3A_235, %get3A_236] : memref<3x4x100000xf32, #tpu.memory_space<vmem>>, vector<1x1x128xf32>
    %get3A_238 = vector.shape_cast %get3A_237 : vector<1x1x128xf32> to vector<128xf32>
    %reshape3A_239 = vector.shape_cast %get3A_238 : vector<128xf32> to vector<1x128xf32>
    %get3A_240 = arith.index_cast %rem3A_2 : i32 to index
    %get3A_241 = arith.constant 2 : index
    %get3A_242 = arith.index_cast %multiple_of3A_232 : i32 to index
    %get3A_243 = vector.load %arg8[%get3A_240, %get3A_241, %get3A_242] : memref<3x4x100000xf32, #tpu.memory_space<vmem>>, vector<1x1x128xf32>
    %get3A_244 = vector.shape_cast %get3A_243 : vector<1x1x128xf32> to vector<128xf32>
    %reshape3A_245 = vector.shape_cast %get3A_244 : vector<128xf32> to vector<1x128xf32>
    %eq3A_246 = vector.broadcast %sub3A_233 : i32 to vector<1x128xi32>
    %eq3A_247 = arith.cmpi eq, %iota3A_66, %eq3A_246 : vector<1x128xi32>
    %jit3A_248 = arith.constant 0.000000e+00 : f32
    %broadcast_in_dim3A_249 = vector.broadcast %jit3A_248 : f32 to vector<1x128xf32>
    %select_n3A_250 = arith.select %eq3A_247, %reshape3A_239, %broadcast_in_dim3A_249 : vector<1x128xi1>, vector<1x128xf32>
    %reduce_sum3A_251 = arith.constant dense<0.000000e+00> : vector<1xf32>
    %reduce_sum3A_252 = vector.multi_reduction <add>, %select_n3A_250, %reduce_sum3A_251 [1] : vector<1x128xf32> to vector<1xf32>
    %jit3A_253 = arith.constant 0.000000e+00 : f32
    %broadcast_in_dim3A_254 = vector.broadcast %jit3A_253 : f32 to vector<1x128xf32>
    %select_n3A_255 = arith.select %eq3A_247, %reshape3A_245, %broadcast_in_dim3A_254 : vector<1x128xi1>, vector<1x128xf32>
    %reduce_sum3A_256 = arith.constant dense<0.000000e+00> : vector<1xf32>
    %reduce_sum3A_257 = vector.multi_reduction <add>, %select_n3A_255, %reduce_sum3A_256 [1] : vector<1x128xf32> to vector<1xf32>
    %get3A_258 = arith.index_cast %arg0 : i32 to index
    %get3A_259 = arith.constant 2 : index
    %get3A_260 = memref.load %arg2[%get3A_258, %get3A_259] : memref<32x4xf32, #tpu.memory_space<smem>>
    %mul3A_261 = vector.broadcast %get3A_260 : f32 to vector<1xf32>
    %mul3A_262 = arith.mulf %mul3A_261, %reduce_sum3A_252 : vector<1xf32>
    %le3A_263 = arith.cmpf ole, %mul3A_262, %reduce_sum3A_257 : vector<1xf32>
    %jit3A_264 = arith.constant 1 : i32
    %jit3A_265 = arith.constant 0 : i32
    %broadcast_in_dim3A_266 = vector.broadcast %jit3A_264 : i32 to vector<1xi32>
    %broadcast_in_dim3A_267 = vector.broadcast %jit3A_265 : i32 to vector<1xi32>
    %select_n3A_268 = arith.select %le3A_263, %broadcast_in_dim3A_266, %broadcast_in_dim3A_267 : vector<1xi1>, vector<1xi32>
    %swap3A_269 = arith.constant 0 : index
    %swap3A_270 = arith.constant 2 : index
    %swap3A_271 = arith.constant 0 : index
    %swap3A_272 = vector.load %arg7[%swap3A_269, %swap3A_270, %swap3A_271] : memref<1x4x1xi32, #tpu.memory_space<vmem>>, vector<1x1x1xi32>
    %swap3A_273 = vector.shape_cast %swap3A_272 : vector<1x1x1xi32> to vector<1xi32>
    %swap3A_274 = vector.shape_cast %select_n3A_268 : vector<1xi32> to vector<1x1x1xi32>
    tpu.vector_store %arg7[%swap3A_269, %swap3A_270, %swap3A_271], %swap3A_274 {strides = array<i32>} : memref<1x4x1xi32, #tpu.memory_space<vmem>>, vector<1x1x1xi32>,
    %get3A_275 = arith.index_cast %arg0 : i32 to index
    %get3A_276 = arith.constant 3 : index
    %get3A_277 = memref.load %arg1[%get3A_275, %get3A_276] : memref<32x4xi32, #tpu.memory_space<smem>>
    %jit3A_278 = arith.constant 128 : i32
    %div3A_279 = arith.divsi %get3A_277, %jit3A_278 : i32
    %sign3A_280 = arith.constant 0 : i32
    %sign3A_281 = arith.cmpi sgt, %get3A_277, %sign3A_280 : i32
    %sign3A_282 = arith.extui %sign3A_281 : i1 to i32
    %sign3A_283 = arith.constant 0 : i32
    %sign3A_284 = arith.cmpi slt, %get3A_277, %sign3A_283 : i32
    %sign3A_285 = arith.extui %sign3A_284 : i1 to i32
    %sign3A_286 = arith.subi %sign3A_282, %sign3A_285 : i32
    %sign3A_287 = arith.constant 0 : i32
    %sign3A_288 = arith.cmpi sgt, %jit3A_278, %sign3A_287 : i32
    %sign3A_289 = arith.extui %sign3A_288 : i1 to i32
    %sign3A_290 = arith.constant 0 : i32
    %sign3A_291 = arith.cmpi slt, %jit3A_278, %sign3A_290 : i32
    %sign3A_292 = arith.extui %sign3A_291 : i1 to i32
    %sign3A_293 = arith.subi %sign3A_289, %sign3A_292 : i32
    %ne3A_294 = arith.cmpi ne, %sign3A_286, %sign3A_293 : i32
    %rem3A_295 = arith.remsi %get3A_277, %jit3A_278 : i32
    %ne3A_296 = arith.constant 0 : i32
    %ne3A_297 = arith.cmpi ne, %rem3A_295, %ne3A_296 : i32
    %and3A_298 = arith.andi %ne3A_294, %ne3A_297 : i1
    %sub3A_299 = arith.constant 1 : i32
    %sub3A_300 = arith.subi %div3A_279, %sub3A_299 : i32
    %select_n3A_301 = arith.select %and3A_298, %sub3A_300, %div3A_279 : i32
    %mul3A_302 = arith.constant 128 : i32
    %mul3A_303 = arith.muli %select_n3A_301, %mul3A_302 : i32
    %multiple_of3A_304 = tpu.assume_multiple %mul3A_303, 128 : i32
    %sub3A_305 = arith.subi %get3A_277, %multiple_of3A_304 : i32
    %get3A_306 = arith.index_cast %rem3A_2 : i32 to index
    %get3A_307 = arith.constant 3 : index
    %get3A_308 = arith.index_cast %multiple_of3A_304 : i32 to index
    %get3A_309 = vector.load %arg9[%get3A_306, %get3A_307, %get3A_308] : memref<3x4x100000xf32, #tpu.memory_space<vmem>>, vector<1x1x128xf32>
    %get3A_310 = vector.shape_cast %get3A_309 : vector<1x1x128xf32> to vector<128xf32>
    %reshape3A_311 = vector.shape_cast %get3A_310 : vector<128xf32> to vector<1x128xf32>
    %get3A_312 = arith.index_cast %rem3A_2 : i32 to index
    %get3A_313 = arith.constant 3 : index
    %get3A_314 = arith.index_cast %multiple_of3A_304 : i32 to index
    %get3A_315 = vector.load %arg8[%get3A_312, %get3A_313, %get3A_314] : memref<3x4x100000xf32, #tpu.memory_space<vmem>>, vector<1x1x128xf32>
    %get3A_316 = vector.shape_cast %get3A_315 : vector<1x1x128xf32> to vector<128xf32>
    %reshape3A_317 = vector.shape_cast %get3A_316 : vector<128xf32> to vector<1x128xf32>
    %eq3A_318 = vector.broadcast %sub3A_305 : i32 to vector<1x128xi32>
    %eq3A_319 = arith.cmpi eq, %iota3A_66, %eq3A_318 : vector<1x128xi32>
    %jit3A_320 = arith.constant 0.000000e+00 : f32
    %broadcast_in_dim3A_321 = vector.broadcast %jit3A_320 : f32 to vector<1x128xf32>
    %select_n3A_322 = arith.select %eq3A_319, %reshape3A_311, %broadcast_in_dim3A_321 : vector<1x128xi1>, vector<1x128xf32>
    %reduce_sum3A_323 = arith.constant dense<0.000000e+00> : vector<1xf32>
    %reduce_sum3A_324 = vector.multi_reduction <add>, %select_n3A_322, %reduce_sum3A_323 [1] : vector<1x128xf32> to vector<1xf32>
    %jit3A_325 = arith.constant 0.000000e+00 : f32
    %broadcast_in_dim3A_326 = vector.broadcast %jit3A_325 : f32 to vector<1x128xf32>
    %select_n3A_327 = arith.select %eq3A_319, %reshape3A_317, %broadcast_in_dim3A_326 : vector<1x128xi1>, vector<1x128xf32>
    %reduce_sum3A_328 = arith.constant dense<0.000000e+00> : vector<1xf32>
    %reduce_sum3A_329 = vector.multi_reduction <add>, %select_n3A_327, %reduce_sum3A_328 [1] : vector<1x128xf32> to vector<1xf32>
    %get3A_330 = arith.index_cast %arg0 : i32 to index
    %get3A_331 = arith.constant 3 : index
    %get3A_332 = memref.load %arg2[%get3A_330, %get3A_331] : memref<32x4xf32, #tpu.memory_space<smem>>
    %mul3A_333 = vector.broadcast %get3A_332 : f32 to vector<1xf32>
    %mul3A_334 = arith.mulf %mul3A_333, %reduce_sum3A_324 : vector<1xf32>
    %le3A_335 = arith.cmpf ole, %mul3A_334, %reduce_sum3A_329 : vector<1xf32>
    %jit3A_336 = arith.constant 1 : i32
    %jit3A_337 = arith.constant 0 : i32
    %broadcast_in_dim3A_338 = vector.broadcast %jit3A_336 : i32 to vector<1xi32>
    %broadcast_in_dim3A_339 = vector.broadcast %jit3A_337 : i32 to vector<1xi32>
    %select_n3A_340 = arith.select %le3A_335, %broadcast_in_dim3A_338, %broadcast_in_dim3A_339 : vector<1xi1>, vector<1xi32>
    %swap3A_341 = arith.constant 0 : index
    %swap3A_342 = arith.constant 3 : index
    %swap3A_343 = arith.constant 0 : index
    %swap3A_344 = vector.load %arg7[%swap3A_341, %swap3A_342, %swap3A_343] : memref<1x4x1xi32, #tpu.memory_space<vmem>>, vector<1x1x1xi32>
    %swap3A_345 = vector.shape_cast %swap3A_344 : vector<1x1x1xi32> to vector<1xi32>
    %swap3A_346 = vector.shape_cast %select_n3A_340 : vector<1xi32> to vector<1x1x1xi32>
    tpu.vector_store %arg7[%swap3A_341, %swap3A_342, %swap3A_343], %swap3A_346 {strides = array<i32>} : memref<1x4x1xi32, #tpu.memory_space<vmem>>, vector<1x1x1xi32>,
    return
  }
  func.func @transform_0(%arg0: i32) -> (i32, i32) {
    %c0_i32 = arith.constant 0 : i32
    %c0_i32_0 = arith.constant 0 : i32
    %c0_i32_1 = arith.constant 0 : i32
    return %c0_i32, %c0_i32_0 : i32, i32
  }
  func.func @transform_1(%arg0: i32) -> (i32, i32) {
    %c0_i32 = arith.constant 0 : i32
    %c0_i32_0 = arith.constant 0 : i32
    %c0_i32_1 = arith.constant 0 : i32
    return %c0_i32, %c0_i32_0 : i32, i32
  }
  func.func @transform_5(%arg0: i32) -> (i32, i32, i32) {
    %c0_i32 = arith.constant 0 : i32
    %c0_i32_0 = arith.constant 0 : i32
    %c0_i32_1 = arith.constant 0 : i32
    return %arg0, %c0_i32, %c0_i32_0 : i32, i32, i32
  }
  func.func @transform_6(%arg0: i32) -> (i32, i32, i32) {
    %c0_i32 = arith.constant 0 : i32
    %c0_i32_0 = arith.constant 0 : i32
    %c0_i32_1 = arith.constant 0 : i32
    return %arg0, %c0_i32, %c0_i32_0 : i32, i32, i32
  }
}

</mosaic_0001>

<sc_bundles>
// kernel: kernel.4.cloned.1.call-start
scs
__scs_entry_jumppad:
0x0: {  	(pc) =	sbr.rel $0x88, $3  }
0x1: {  	(tag) =	ssettag $0x0;
	lr =	simm.s32 $0x1  }
0x2: {  	[smem:$0x3F9B] =	sst lr;
	_ =	strace $0xD0000000  }
0x3: {  	_ = 	snop  }
0x4: {  	_ = 	snop  }
0x5: {  	_ = 	snop  }
0x6: {  	_ = 	snop  }
0x7: {  	_ = 	snop  }
__scs_overlays_trampoline_lowered:
0x8: {  	[smem:$0x3FAA] =	sst s0  }
0x9: {  	[smem:$0x3FAB] =	sst s1  }
0xa: {  	[smem:$0x3FAC] =	sst s2  }
0xb: {  	[smem:$0x3FAD] =	sst s3  }
0xc: {  	[smem:$0x3FAE] =	sst s4  }
0xd: {  	[smem:$0x3FAF] =	sst s5  }
0xe: {  	[smem:$0x3FB0] =	sst s6  }
0xf: {  	[smem:$0x3FB1] =	sst s7  }
0x10: {  	[smem:$0x3FB2] =	sst s8  }
0x11: {  	[smem:$0x3FB3] =	sst s9;
	s0 =	simm.s32 @!p0 $0x0  }
0x12: {  	s1 =	sld [smem:$0x3F99];
	s0 =	simm.s32 @p0 $0x1  }
0x13: {  	[smem:$0x3FB4] =	sst s0;
	s0 =	simm.s32 @!p1 $0x0  }
0x14: {  	s2 =	sld [smem:$0x3F98];
	s0 =	simm.s32 @p1 $0x1  }
0x15: {  	[smem:$0x3FB5] =	sst s0;
	s0 =	simm.s32 @!p2 $0x0  }
0x16: {  	s3 =	sld [smem:$0x3FDB];
	s0 =	simm.s32 @p2 $0x1  }
0x17: {  	s4 =	simm.s32 $0x1BF5;
	[smem:$0x3FB7] =	sst s0  }
0x18: {  	s0 =	sld [smem:$0x3F9A];
	_ =	swait.ge [sflag:s4], $0x0  }
0x19: {  	s7 =	sld [smem:$0x3F9B]  }
0x1a: {  	s8 =	sadd.s32 $0xFFFFE003, lr  }
0x1b: {  	s9 =	sadd.s32 $0xFFFFFEF7, lr;
	s5 =	simm.s32 $0xFFFFFFFF;
	p2 =	slt.u32 s8, $0xFFFFF086  }
0x1c: {  	p1 =	slt.u32 s9, $0xF7A;
	s5 =	simm.s32 @!p2 $0x0  }
0x1d: {  	s5 =	simm.s32 @p1 $0x1;
	p0 =	seq.s32 s7, s2  }
0x1e: {  	s7 =	smul.u32 @!p0 $0xF7A, s2;
	p2 =	seq.s32 @!p0 s5, $0x0  }
0x1f: {  	s9 =	smul.u32 $0xF7A, s1;
	s8 =	simm.s32 @!p0 $0x1BF5;
	p2 =	por !p2, p0  }
0x20: {  	[sflag:s8] =	ssyncset.s32 @!p0 $0xFFFFF086;
	s6 =	sadd.s32 @!p0 s3, s7;
	s7 =	simm.s32 @!p0 $0x108  }
0x21: {  	s3 =	sadd.s32 s3, s9;
	s6 =	sadd.s32 @!p0 $0x88, s6;
	s7 =	simm.s32 @p2 $0x1082  }
0x22: {  	[simem:s7], [sflag:s8] =	dma.local @!p0 [hbm:s6], $0xF7A  }
0x23: {  	s9 =	sor.u32 $0xD0000000, s2;
	s6 =	simm.s32 $0x108;
	_ =	swait.ge @!p0 [sflag:s8], $0x0  }
0x24: {  	s3 =	sadd.s32 $0x88, s3;
	s6 =	simm.s32 @!p1 $0x1082;
	[sflag:s4] =	ssyncset.s32 $0xFFFFF086  }
0x25: {  	[simem:s6], [sflag:s4] =	dma.local [hbm:s3], $0xF7A  }
0x26: {  	[smem:$0x3F9B] =	sst s1;
	(tag) =	ssettag s2;
	_ =	strace s9  }
0x27: {  	s1 =	sld [smem:$0x3FAB]  }
0x28: {  	s2 =	sld [smem:$0x3FAC]  }
0x29: {  	s4 =	sld [smem:$0x3FAE]  }
0x2a: {  	p0 =	seq.s32 s5, $0x0;
	s5 =	sld [smem:$0x3FAF]  }
0x2b: {  	s6 =	sld [smem:$0x3FB0]  }
0x2c: {  	s7 =	sld [smem:$0x3FB1]  }
0x2d: {  	s3 =	simm.s32 $0x108;
	s8 =	sld [smem:$0x3FB2]  }
0x2e: {  	s3 =	simm.s32 @!p0 $0x1082;
	s9 =	sld [smem:$0x3FB3]  }
0x2f: {  	lr =	sadd.s32 s0, s3;
	s0 =	sld [smem:$0x3FAA]  }
0x30: {  	s3 =	sld [smem:$0x3FAD]  }
0x31: {  	[smem:$0x3FB6] =	sst s10  }
0x32: {  	s10 =	sld [smem:$0x3FB4];
	_ =	sdelay $0x3  }
0x33: {  	p0 =	seq.s32 s10, $0x1;
	s10 =	sld [smem:$0x3FB6];
	_ =	sdelay $0x3  }
0x34: {  	[smem:$0x3FB6] =	sst s10  }
0x35: {  	s10 =	sld [smem:$0x3FB5];
	_ =	sdelay $0x3  }
0x36: {  	p1 =	seq.s32 s10, $0x1;
	s10 =	sld [smem:$0x3FB6];
	_ =	sdelay $0x3  }
0x37: {  	[smem:$0x3FB6] =	sst s10  }
0x38: {  	s10 =	sld [smem:$0x3FB7]  }
0x39: {  	_ = 	snop;
	(pc) =	sbr.ind lr, $3  }
0x3a: {  	_ = 	snop  }
0x3b: {  	_ = 	snop  }
0x3c: {  	p2 =	seq.s32 s10, $0x1;
	s10 =	sld [smem:$0x3FB6]  }
0x3d: {  	_ =	shalt  }
0x3e: {  	_ =	shalt  }
0x3f: {  	_ =	shalt  }
0x40: {  	_ =	shalt  }
0x41: {  	_ =	shalt  }
0x42: {  	_ =	shalt  }
0x43: {  	_ =	shalt  }
0x44: {  	_ =	shalt  }
0x45: {  	_ =	shalt  }
0x46: {  	_ =	shalt  }
0x47: {  	_ =	shalt  }
0x48: {  	_ =	shalt  }
0x49: {  	_ =	shalt  }
0x4a: {  	_ =	shalt  }
0x4b: {  	_ =	shalt  }
0x4c: {  	_ =	shalt  }
0x4d: {  	_ =	shalt  }
0x4e: {  	_ =	shalt  }
0x4f: {  	_ =	shalt  }
0x50: {  	_ =	shalt  }
0x51: {  	_ =	shalt  }
0x52: {  	_ =	shalt  }
0x53: {  	_ =	shalt  }
0x54: {  	_ =	shalt  }
0x55: {  	_ =	shalt  }
0x56: {  	_ =	shalt  }
0x57: {  	_ =	shalt  }
0x58: {  	_ =	shalt  }
0x59: {  	_ =	shalt  }
0x5a: {  	_ =	shalt  }
0x5b: {  	_ =	shalt  }
0x5c: {  	_ =	shalt  }
0x5d: {  	_ =	shalt  }
0x5e: {  	_ =	shalt  }
0x5f: {  	_ =	shalt  }
0x60: {  	_ =	shalt  }
0x61: {  	_ =	shalt  }
0x62: {  	_ =	shalt  }
0x63: {  	_ =	shalt  }
0x64: {  	_ =	shalt  }
0x65: {  	_ =	shalt  }
0x66: {  	_ =	shalt  }
0x67: {  	_ =	shalt  }
0x68: {  	_ =	shalt  }
0x69: {  	_ =	shalt  }
0x6a: {  	_ =	shalt  }
0x6b: {  	_ =	shalt  }
0x6c: {  	_ =	shalt  }
0x6d: {  	_ =	shalt  }
0x6e: {  	_ =	shalt  }
0x6f: {  	_ =	shalt  }
0x70: {  	_ =	shalt  }
0x71: {  	_ =	shalt  }
0x72: {  	_ =	shalt  }
0x73: {  	_ =	shalt  }
0x74: {  	_ =	shalt  }
0x75: {  	_ =	shalt  }
0x76: {  	_ =	shalt  }
0x77: {  	_ =	shalt  }
0x78: {  	_ =	shalt  }
0x79: {  	_ =	shalt  }
0x7a: {  	_ =	shalt  }
0x7b: {  	_ =	shalt  }
0x7c: {  	_ =	shalt  }
0x7d: {  	_ =	shalt  }
0x7e: {  	_ =	shalt  }
0x7f: {  	_ =	shalt  }
0x80: {  	_ =	shalt  }
0x81: {  	_ =	shalt  }
0x82: {  	_ =	shalt  }
0x83: {  	_ =	shalt  }
0x84: {  	_ =	shalt  }
0x85: {  	_ =	shalt  }
0x86: {  	_ =	shalt  }
0x87: {  	_ =	shalt  }
.Lfunc_end0:
.L_simem_size_0:
called_computation_lowered:
.L_overlay_start_0:
0x88: {  	s2 =	sld [smem:$0x3FD9]  }
0x89: {  	s3 =	sld [smem:$0x3FFE];
	_ =	sdelay $0x1  }
0x8a: {  	s1 =	srdreg.scid  }
0x8b: {  	s0 =	sand.u32 $0x1, s1  }
0x8c: {  	s17 =	sshll.u32 s0, $0xA;
	s2 =	sadd.s32 s3, s2  }
0x8d: {  	s2 =	sadd.s32 s2, s17  }
0x8e: {  	[smem:$0x3FC2] =	sst s2  }
0x8f: {  	_ = 	snop  }
0x90: {  	s2 =	sld [smem:$0x3FC4]  }
0x91: {  	s18 =	sld [smem:$0x3FD0];
	(tm) =	ssettm $0x1  }
0x92: {  	s4 =	sld [smem:$0x3FFB];
	_ =	sdelay $0x3  }
0x93: {  	_ =	strace s4  }
0x94: {  	s4 =	sld [smem:$0x3FFC];
	_ =	sdelay $0x3  }
0x95: {  	_ =	strace s4  }
0x96: {  	s4 =	sld [smem:$0x3FFD];
	_ =	sdelay $0x3  }
0x97: {  	_ =	strace s4  }
0x98: {  	_ =	strace $0x8FFFFFFF  }
0x99: {  	s19 =	sld [smem:$0x3FDB];
	_ =	sdelay $0x1  }
0x9a: {  	s5 =	simm.s32 $_scs_section_size  }
0x9b: {  	s6 =	simm.s32 $_size__tile_overlayer_lowered;
	s7 =	simm.s32 $_tile_overlayer_lowered  }
0x9c: {  	s22 =	simm.s32 $0x1BFF;
	s21 =	sshll.u32 s7, $0x1;
	s4 =	sadd.s32 s5, s19  }
0x9d: {  	s8 =	simm.s32 $0x0;
	s20 =	sshll.u32 s6, $0x1;
	s6 =	sadd.s32 s21, s4  }
0x9e: {  	[timem:s8], [sflag:s22] =	dma.local [hbm:s6], s20  }
0x9f: {  	_ =	swait.ge [sflag:s22], s20  }
0xa0: {  	s5 =	ssub.s32 $0x0, s20;
	[sflag:s22] =	ssyncset.done $0x0  }
0xa1: {  	[sflag:s22] =	ssyncadd.s32 s5;
	_ =	sdelay $0x1  }
0xa2: {  	s23 =	simm.s32 $0x1B8B  }
0xa3: {  	_ =	swait.ge [sflag:s23], $0x1  }
0xa4: {  	[sflag:s23] =	ssyncset.done $0x0  }
0xa5: {  	s25 =	simm.s32 $0x1B8E;
	s24 =	sld [smem:$0x3FFE];
	[sflag:s23] =	ssyncadd.s32 $0xFFFFFFFF  }
0xa6: {  	s26 =	simm.s32 $execute0_lowered;
	[smem:$0x3FD2] =	sst s25  }
0xa7: {  	s6 =	sshll.u32 s26, $0x1;
	_ =	strace $0x80000046;
	[dreg:$0x1] =	wrdreg $0xFFFFFFFF  }
0xa8: {  	s28 =	simm.s32 $_size_execute0_lowered;
	s4 =	sadd.s32 s4, s6;
	[dreg:$0x0] =	wrdreg $0x0  }
0xa9: {  	s6 =	sshll.u32 s28, $0x1;
	[dreg:$0x2] =	wrdreg s4  }
0xaa: {  	[dreg:$0x3] =	wrdreg s6  }
0xab: {  	[dreg:$0x4] =	wrdreg $0xC0  }
0xac: {  	_ =	task [dreg:s8], $0x5FFFF  }
0xad: {  	[dreg:$0x1] =	wrdreg $0xFFFFFFFF  }
0xae: {  	[dreg:$0x0] =	wrdreg $0x60  }
0xaf: {  	[dreg:$0x2] =	wrdreg s24  }
0xb0: {  	[dreg:$0x3] =	wrdreg s2  }
0xb1: {  	[dreg:$0x4] =	wrdreg s18  }
0xb2: {  	[dreg:$0x5] =	wrdreg $0x9  }
0xb3: {  	_ =	task.clear_ibuf [dreg:s8], $0x6FFFF;
	_ =	strace $0x90000046  }
0xb4: {  	s29 =	simm.s32 $0x9;
	_ =	strace $0x80000048  }
0xb5: {  	_ =	swait.ge [sflag:s29], $0x1  }
0xb6: {  	[sflag:s29] =	ssyncadd.s32 $0xFFFFFFFF  }
0xb7: {  	_ =	strace $0x90000048  }
0xb8: {  	_ =	sfence  }
0xb9: {  	s30 =	sld [smem:$0x0];
	_ =	sdelay $0x2  }
0xba: {  	s31 =	sshll.u32 s1, $0xD;
	s1 =	sshrl.u32 s1, $0x2  }
0xbb: {  	s3 =	sand.u32 $0x4000, s31;
	s1 =	sadd.s32 s1, s30  }
0xbc: {  	s0 =	sor.u32 s3, s0;
	s1 =	sshll.u32 s1, $0x11  }
0xbd: {  	s0 =	sor.u32 s1, s0  }
0xbe: {  	s0 =	sadd.s32 $0x8F2B, s0  }
0xbf: {  	[sflag:s0] =	ssyncadd.remote.s32 $0x1  }
0xc0: {  	_ =	sfence.sel $0xFFFF  }
0xc1: {  	[dreg:$0x0] =	wrdreg $0xFFFFFFFF;
	(pc) =	sbr.abs _section_cstart, $3  }
0xc2: {  	[dreg:$0x1] =	wrdreg $0xFFFFFFFF  }
0xc3: {  	_ =	task.clear_ibuf [dreg:s8], $0x2FFFF;
	_ =	strace $0x9FFFFFFF  }
0xc4: {  	(tm) =	ssettm $0x7FFFFFFF  }
0xc5: {  	_ =	shalt  }
tec
execute0_lowered:
.L_overlay_start_1:
0x0: {  	(tag) =	ssettag $0x1  }
0x1: {  	s0 =	srdreg.scid  }
0x2: {  	s5 =	sand.u32 $0x1, s0;
	s0 =	stileid.u32  }
0x3: {  	s6 =	sor.u32 s0, s5  }
0x4: {  	p0 =	sne.s32 s6, $0x0  }
.Ltmp0:
0x5: {  	_ = 	snop;
	(pc) =	sbr.rel @p0 .LBB2_3-.Ltmp0, $4  }
0x6: {  	s1 =	rddreg [dreg:$0x0]  }
0x7: {  	s3 =	rddreg [dreg:$0x1]  }
0x8: {  	s4 =	rddreg [dreg:$0x2]  }
0x9: {  	s2 =	rddreg [dreg:$0x3];
	_ =	strace $0x80000047  }
0xa: {  	vm0 =	vcmask $0x1300  }
0xb: {  	v6 =	vimm.s32 $0xC;
	vm1 =	vcmask $0x2714;
	v7 =	vimm.s32 $0xD  }
0xc: {  	vm2 =	vcmask $0x3B28;
	v8 =	vimm.s32 $0xE;
	v2 =	vimm.s32 $0xCCBA9887  }
0xd: {  	v4 =	vimm.s32 $0x65443210;
	v5 =	vimm.s32 $0xEAA55400;
	v9 =	vimm.s32 $0xF  }
0xe: {  	vm4 =	vcmask $0x2304;
	vm5 =	vcmask $0x3F24;
	vm3 =	vcmask $0x3724  }
0xf: {  	v11 =	vimm.s32 $0x76544321;
	v12 =	vimm.s32 $0x6;
	v13 =	vimm.s32 $0x32104324  }
0x10: {  	v14 =	vimm.s32 $0x10432100;
	vm6 =	vcmask $0x3324;
	v16 =	vimm.s32 $0xEDCCBA98  }
0x11: {  	v17 =	vimm.s32 $0x87654432;
	v18 =	vimm.s32 $0x7060606;
	v20 =	vimm.s32 $0x21043210  }
0x12: {  	v22 =	vimm.s32 $0xB7777733;
	vm7 =	vcmask $0x330;
	v25 =	vimm.s32 $0x88444440  }
0x13: {  	v26 =	vimm.s32 $0x99555551;
	v27 =	vimm.s32 $0xBB777773;
	v28 =	vimm.s32 $0xEEDDDDDC  }
0x14: {  	v33 =	vimm.s32 $0xFFEDCCBA;
	v35 =	vimm.s32 $0x98876544;
	v36 =	vimm.s32 $0x10432102  }
0x15: {  	v0 =	vsel vm0, $0x0, v6;
	v1 =	vsel vm0, $0x1, v7;
	v3 =	vsel vm0, $0x2, v8  }
0x16: {  	v2 =	vunpack.c.l.s4.s8 v2;
	v4 =	vunpack.c.l.s4.s8 v4;
	v5 =	vunpack.c.l.s2.s4 v5  }
0x17: {  	v11 =	vunpack.c.l.s4.s8 v11;
	v13 =	vunpack.c.l.s4.s8 v13;
	v16 =	vunpack.c.l.s4.s8 v16  }
0x18: {  	v17 =	vunpack.c.l.s4.s8 v17;
	v18 =	vunpack.c.0.s8.s32 v18;
	v22 =	vunpack.c.l.s4.s8 v22  }
0x19: {  	v25 =	vunpack.c.l.s4.s8 v25;
	v26 =	vunpack.c.l.s4.s8 v26;
	v27 =	vunpack.c.l.s4.s8 v27  }
0x1a: {  	v28 =	vunpack.c.l.s4.s8 v28;
	v33 =	vunpack.c.l.s4.s8 v33;
	v35 =	vunpack.c.l.s4.s8 v35  }
0x1b: {  	v36 =	vunpack.c.l.s4.s8 v36;
	v0 =	vsel vm1, $0x4, v0;
	v1 =	vsel vm1, $0x5, v1  }
0x1c: {  	v3 =	vsel vm1, $0x6, v3;
	v0 =	vsel vm2, $0x8, v0;
	v1 =	vsel vm2, $0x9, v1  }
0x1d: {  	v10 =	vunpack.c.0.s8.s32 v2;
	v2 =	vsel vm2, $0xA, v3;
	v3 =	vsel vm0, $0x3, v9  }
0x1e: {  	v4 =	vunpack.c.0.s8.s32 v4;
	v5 =	vunpack.c.l.s4.s8 v5;
	vm0 =	vcmask $0x2314  }
0x1f: {  	v11 =	vunpack.c.0.s8.s32 v11;
	v16 =	vunpack.c.0.s8.s32 v16;
	v17 =	vunpack.c.0.s8.s32 v17  }
0x20: {  	v27 =	vunpack.c.0.s8.s32 v27;
	v28 =	vunpack.c.0.s8.s32 v28;
	v33 =	vunpack.c.0.s8.s32 v33  }
0x21: {  	v35 =	vunpack.c.0.s8.s32 v35;
	v63 =	vunpack.c.0.s8.s32 v36;
	v3 =	vsel vm1, $0x7, v3  }
0x22: {  	vm1 =	vcmask $0xF3C;
	v10 =	vand.u32 $0xF, v10;
	v3 =	vsel vm2, $0xB, v3  }
0x23: {  	v29 =	vunpack.c.0.s8.s32 v5;
	vm0 =	vmor vm1, vm0;
	vm1 =	vcmask $0x3728  }
0x24: {  	vm2 =	vcmask $0xF00;
	v4 =	vcombine.low v4, v10;
	v10 =	vimm.s32 $0x21043213  }
0x25: {  	v31 =	vcombine.low v17, v16;
	v5 =	vunpack.c.l.s4.s8 v10;
	v10 =	vimm.s32 $0x4321040  }
0x26: {  	v17 =	vimm.s32 $0x84444400;
	vm0 =	vmor vm0, vm1;
	v10 =	vunpack.c.l.s4.s8 v10  }
0x27: {  	v6 =	vsel vm2, $0x0, v6;
	vm1 =	vcmask $0x2310;
	v5 =	vunpack.c.0.s8.s32 v5  }
0x28: {  	v7 =	vsel vm2, $0x1, v7;
	v8 =	vsel vm2, $0x2, v8;
	v10 =	vunpack.c.0.s8.s32 v10  }
0x29: {  	v9 =	vsel vm2, $0x3, v9;
	v12 =	vsel vm2, $0x3, v12;
	v5 =	vnsel vm4, $0x0, v5  }
0x2a: {  	v18 =	vnsel vm2, $0x9, v18;
	v5 =	vsel vm5, v10, v5;
	v10 =	vimm.s32 $0xDCCBA988  }
0x2b: {  	v6 =	vsel vm1, $0x4, v6;
	v7 =	vsel vm1, $0x5, v7;
	v10 =	vunpack.c.l.s4.s8 v10  }
0x2c: {  	v8 =	vsel vm1, $0x6, v8;
	v9 =	vsel vm1, $0x7, v9;
	v12 =	vsel vm1, $0x4, v12  }
0x2d: {  	vm1 =	vcmask $0xB38;
	v6 =	vsel vm3, $0x8, v6;
	v10 =	vunpack.c.0.s8.s32 v10  }
0x2e: {  	v7 =	vsel vm3, $0x9, v7;
	v8 =	vsel vm3, $0xA, v8;
	v9 =	vsel vm3, $0xB, v9  }
0x2f: {  	v30 =	vcombine.low v11, v10;
	v10 =	vsel vm3, $0x5, v12;
	v11 =	vunpack.c.l.s4.s8 v14  }
0x30: {  	vm3 =	vcmask $0x1F10;
	v12 =	vunpack.c.0.s8.s32 v13;
	v13 =	vimm.s32 $0x4000000  }
0x31: {  	v17 =	vunpack.c.l.s4.s8 v17;
	vm1 =	vmor vm1, vm3;
	v13 =	vunpack.c.0.s8.s32 v13  }
0x32: {  	v18 =	vsel vm3, $0x7, v18;
	v11 =	vunpack.c.0.s8.s32 v11;
	v12 =	vnsel vm4, $0x1, v12  }
0x33: {  	vm1 =	vmor vm1, vm6;
	vm6 =	vcmask $0x3320;
	v13 =	vnsel vm2, $0xC, v13  }
0x34: {  	v16 =	vsel vm6, $0x8, v18;
	v11 =	vsel vm5, v11, v12;
	v12 =	vimm.s32 $0x5010101  }
0x35: {  	v18 =	vimm.s32 $0x43210430;
	v14 =	vunpack.c.0.s8.s32 v12;
	v12 =	vimm.s32 $0x6020202  }
0x36: {  	v13 =	vsel vm3, $0x4, v13;
	v18 =	vunpack.c.l.s4.s8 v18;
	v15 =	vunpack.c.0.s8.s32 v12  }
0x37: {  	v12 =	vsel vm6, $0x8, v13;
	v13 =	vnsel vm2, $0xD, v14;
	v14 =	vimm.s32 $0x7030303  }
0x38: {  	v27 =	vand.u32 $0xF, v27;
	v28 =	vand.u32 $0xF, v28;
	v14 =	vunpack.c.0.s8.s32 v14  }
0x39: {  	v17 =	vunpack.c.0.s8.s32 v17;
	v34 =	vunpack.c.0.s8.s32 v18;
	v15 =	vnsel vm2, $0xE, v15  }
0x3a: {  	v18 =	vunpack.c.l.s4.s8 v20;
	v15 =	vsel vm3, $0x6, v15;
	v19 =	vnsel vm2, $0xF, v14  }
0x3b: {  	v14 =	vsel vm6, $0xA, v15;
	v15 =	vsel vm3, $0x7, v19;
	v19 =	vimm.s32 $0x95555511  }
0x3c: {  	v17 =	vand.u32 $0xF, v17;
	v13 =	vsel vm3, $0x5, v13;
	v19 =	vunpack.c.l.s4.s8 v19  }
0x3d: {  	v20 =	vnsel vm4, $0x2, v34;
	v18 =	vunpack.c.0.s8.s32 v18;
	v13 =	vsel vm6, $0x9, v13  }
0x3e: {  	vm2 =	vcmask $0x1B0C;
	vm3 =	vcmask $0x734;
	v19 =	vunpack.c.0.s8.s32 v19  }
0x3f: {  	v15 =	vsel vm6, $0xB, v15;
	vm2 =	vmor vm3, vm2;
	vm6 =	vcmask $0x1F00  }
0x40: {  	v21 =	vnsel vm6, $0xC, v17;
	v17 =	vand.u32 $0xF, v19;
	v19 =	vimm.s32 $0xA6666622  }
0x41: {  	vm3 =	vcmask $0x2F20;
	v23 =	vnsel vm6, $0xD, v17;
	v24 =	vunpack.c.l.s4.s8 v19  }
0x42: {  	v33 =	vcombine.low v35, v33;
	v17 =	vsel vm5, v18, v20;
	v19 =	vsel vm3, $0x9, v23  }
0x43: {  	v23 =	vimm.s32 $0xFEDCCBA9;
	v20 =	vunpack.c.0.s8.s32 v24;
	v24 =	vimm.s32 $0x88765443  }
0x44: {  	v35 =	vnsel vm4, $0x4, v63;
	v23 =	vunpack.c.l.s4.s8 v23;
	v24 =	vunpack.c.l.s4.s8 v24  }
0x45: {  	v29 =	vand.u32 $0x3, v29;
	v31 =	vand.u32 $0xF, v31;
	v33 =	vand.u32 $0xF, v33  }
0x46: {  	vm2 =	vmor vm2, vm3;
	v23 =	vunpack.c.0.s8.s32 v23;
	v24 =	vunpack.c.0.s8.s32 v24  }
0x47: {  	v18 =	vsel vm3, $0x8, v21;
	v21 =	vunpack.c.0.s8.s32 v22;
	v22 =	vimm.s32 $0xBAAAAA99  }
0x48: {  	v22 =	vunpack.c.l.s4.s8 v22;
	v32 =	vcombine.low v24, v23;
	v23 =	vimm.s32 $0x4321041  }
0x49: {  	v21 =	vand.u32 $0xF, v21;
	v24 =	vimm.s32 $0x32104320;
	v23 =	vunpack.c.l.s4.s8 v23  }
0x4a: {  	v22 =	vunpack.c.0.s8.s32 v22;
	v21 =	vnsel vm6, $0xF, v21;
	v24 =	vunpack.c.l.s4.s8 v24  }
0x4b: {  	v20 =	vand.u32 $0xF, v20;
	v21 =	vsel vm3, $0xB, v21;
	v23 =	vunpack.c.0.s8.s32 v23  }
0x4c: {  	v20 =	vnsel vm6, $0xE, v20;
	v22 =	vand.u32 $0xF, v22;
	v24 =	vunpack.c.0.s8.s32 v24  }
0x4d: {  	v20 =	vsel vm3, $0xA, v20;
	v22 =	vnsel vm6, $0xC, v22;
	v23 =	vnsel vm4, $0x3, v23  }
0x4e: {  	v22 =	vsel vm3, $0xB, v22;
	vm3 =	vcmask $0x1708;
	v23 =	vsel vm5, v24, v23  }
0x4f: {  	v24 =	vunpack.c.0.s8.s32 v25;
	v25 =	vunpack.c.0.s8.s32 v26;
	v26 =	vimm.s32 $0xAA666662  }
0x50: {  	vm3 =	vmor vm7, vm3;
	vm7 =	vcmask $0x2B1C;
	v26 =	vunpack.c.l.s4.s8 v26  }
0x51: {  	v27 =	vnsel vm6, $0xF, v27;
	vm3 =	vmor vm3, vm7;
	vm7 =	vcmask $0x2B20  }
0x52: {  	v28 =	vnsel vm6, $0xF, v28;
	v27 =	vsel vm7, $0xB, v27;
	v26 =	vunpack.c.0.s8.s32 v26  }
0x53: {  	v28 =	vsel vm7, $0xE, v28;
	v24 =	vand.u32 $0xF, v24;
	v25 =	vand.u32 $0xF, v25  }
0x54: {  	v24 =	vnsel vm6, $0xC, v24;
	v25 =	vnsel vm6, $0xD, v25;
	v26 =	vand.u32 $0xF, v26  }
0x55: {  	s7 =	ssub.s32 $0x2, s5;
	s5 =	sadd.s32 $0x30E000, s1;
	v24 =	vsel vm7, $0x8, v24;
	v25 =	vsel vm7, $0x9, v25;
	v26 =	vnsel vm6, $0xE, v26  }
0x56: {  	s6 =	sadd.s32 $0x200, s1;
	s9 =	simm.s32 $0x100;
	s10 =	simm.s32 $0x1;
	vm6 =	vcmask $0x1714;
	v26 =	vsel vm7, $0xA, v26;
	vm7 =	vcmask $0x33C  }
0x57: {  	s11 =	simm.s32 $0x80;
	s12 =	simm.s32 $0x180;
	s8 =	sshrl.u32 s7, $0x1;
	v30 =	vand.u32 $0xF, v30;
	vm4 =	vcmask $0x2B28;
	vm6 =	vmor vm7, vm6  }
0x58: {  	s13 =	simm.s32 $0x200;
	s7 =	ssub.s32 s7, s8;
	s8 =	simm.s32 $0x0;
	v34 =	vsel vm5, v34, v35;
	v32 =	vand.u32 $0xF, v32;
	vm4 =	vmor vm6, vm4  }
.LBB2_2:
0x59: {  	[tilespmem:s9], [sflag:$0x1] =	stream.linear.gather [hbm4b:s1+s8], $0x80, $0x38;
	[tilespmem:$0x300] =	vst v63  }
0x5a: {  	_ =	swait.ge [sflag:s10], $0x80  }
0x5b: {  	[sflag:s10] =	ssyncset.done $0x0  }
0x5c: {  	[sflag:s10] =	ssyncadd.s32 $0xFFFFFF80  }
0x5d: {  	[tilespmem:s8], [sflag:$0x1] =	stream.linear.gather [hbm4b:s5+s8], $0x80, $0x38;
	[tilespmem:$0x300] =	vst v63  }
0x5e: {  	_ =	swait.ge [sflag:s10], $0x80  }
0x5f: {  	[sflag:s10] =	ssyncset.done $0x0  }
0x60: {  	[sflag:s10] =	ssyncadd.s32 $0xFFFFFF80  }
0x61: {  	[tilespmem:s11], [sflag:$0x1] =	stream.linear.gather [hbm4b:s6+s8], $0x80, $0x38;
	[tilespmem:$0x300] =	vst v63  }
0x62: {  	_ =	swait.ge [sflag:s10], $0x80  }
0x63: {  	[sflag:s10] =	ssyncset.done $0x0  }
0x64: {  	[sflag:s10] =	ssyncadd.s32 $0xFFFFFF80  }
0x65: {  	[tilespmem:s12], [sflag:$0x1] =	stream.linear.gather [hbm4b:s3+s8], $0x80, $0x38;
	[tilespmem:$0x300] =	vst v63  }
0x66: {  	_ =	swait.ge [sflag:s10], $0x80  }
0x67: {  	[sflag:s10] =	ssyncset.done $0x0  }
0x68: {  	[sflag:s10] =	ssyncadd.s32 $0xFFFFFF80  }
0x69: {  	v35 =	vld [tilespmem:$0x100];
	_ =	sdelay $0x4  }
0x6a: {  	v38 =	vld [tilespmem:$0x10C];
	v36 =	vperm.xlane v35, v3  }
0x6b: {  	v37 =	vperm.xlane v35, v2  }
0x6c: {  	v40 =	vld [tilespmem:$0x118];
	v36 =	vadd.s32 $0x1, v36  }
0x6d: {  	v41 =	vld [tilespmem:$0x180];
	v36 =	vmul.u32 v37, v36  }
0x6e: {  	v44 =	vld [tilespmem:$0x124];
	v51 =	vperm.xlane v35, v1  }
0x6f: {  	v61 =	vld [tilespmem:$0xC];
	v35 =	vperm.xlane v35, v0;
	v52 =	vperm.xlane v38, v9;
	v36 =	vadd.s32 $0x1, v36  }
0x70: {  	v39 =	vperm.xlane v38, v8;
	v43 =	vperm.xlane v38, v7;
	v36 =	vmul.u32 v51, v36  }
0x71: {  	v59 =	vld [tilespmem:$0x180];
	v38 =	vperm.xlane v38, v6;
	v55 =	vperm.xlane v40, v15  }
0x72: {  	v41 =	vperm.xlane v41, v29;
	v56 =	vperm.xlane v40, v14;
	v36 =	vadd.s32 $0x1, v36  }
0x73: {  	v60 =	vperm.xlane v40, v13;
	v35 =	vmul.u32 v35, v36;
	v36 =	vadd.s32 $0x1, v52  }
0x74: {  	v62 =	vperm.xlane v44, v21;
	v49 =	vperm.xlane v61, v30;
	v61 =	vld [tilespmem:$0x180];
	v36 =	vmul.u32 v39, v36  }
0x75: {  	v53 =	vld [tilespmem:$0x80];
	v40 =	vperm.xlane v40, v12;
	v46 =	vperm.xlane v44, v20  }
0x76: {  	v54 =	vld [tilespmem:$0x0];
	v63 =	vperm.xlane v59, v10;
	vm5 =	vgt.s32 v35, $0x0;
	v36 =	vadd.s32 $0x1, v36  }
0x77: {  	v50 =	vperm.xlane v44, v19;
	v42 =	vnsel vm5, $0x0, v35;
	v36 =	vmul.u32 v43, v36  }
0x78: {  	v57 =	vadd.s32 $0x1, v55;
	v55 =	vperm.xlane v44, v18;
	v42 =	vmin.u32 v42, $0x3  }
0x79: {  	v44 =	vperm.xlane v61, v22;
	v42 =	vor.u32 v0, v42;
	v36 =	vadd.s32 $0x1, v36  }
0x7a: {  	v58 =	vld [tilespmem:$0x8C];
	v37 =	vperm.xlane v53, v42;
	v42 =	vadd.s32 $0x1, v62;
	v36 =	vmul.u32 v38, v36  }
0x7b: {  	v39 =	vperm.xlane v54, v4;
	v38 =	vmul.u32 v56, v57;
	v48 =	vmul.u32 v46, v42;
	v42 =	vld [tilespmem:$0x130]  }
0x7c: {  	v51 =	vld [tilespmem:$0x180];
	vm6 =	vgt.s32 v35, v5;
	vm5 =	veq.s32 v35, v5;
	vm7 =	vgt.s32 v36, $0x0  }
0x7d: {  	v52 =	vld [tilespmem:$0x18];
	v39 =	vnsel vm6, $0xFFFFFFFF, v39;
	v38 =	vadd.s32 $0x1, v38;
	v45 =	vnsel vm7, $0x0, v36  }
0x7e: {  	v37 =	vsel vm0, v37, v41;
	v38 =	vmul.u32 v60, v38;
	v45 =	vmin.u32 v45, $0x3  }
0x7f: {  	v35 =	vsel vm5, v37, v39;
	vm6 =	veq.s32 v36, v11;
	v45 =	vor.u32 v6, v45  }
0x80: {  	v38 =	vadd.s32 $0x1, v38;
	v57 =	vperm.xlane v42, v27;
	v60 =	vperm.xlane v42, v26  }
0x81: {  	v41 =	vperm.xlane v58, v45;
	v38 =	vmul.u32 v40, v38;
	v58 =	vperm.xlane v51, v16  }
0x82: {  	v46 =	vld [tilespmem:$0x140];
	v40 =	vadd.s32 $0x1, v48;
	v45 =	vperm.xlane v52, v31;
	v48 =	vperm.xlane v42, v25  }
0x83: {  	v47 =	vld [tilespmem:$0x98];
	v52 =	vperm.xlane v42, v24;
	v39 =	vmul.u32 v50, v40;
	v40 =	vadd.s32 $0x1, v57  }
0x84: {  	v41 =	vsel vm1, v41, v63;
	vm5 =	vgt.s32 v38, $0x0;
	v40 =	vmul.u32 v60, v40  }
0x85: {  	v53 =	vnsel vm5, $0x0, v38;
	vm5 =	vgt.s32 v36, v11;
	v39 =	vadd.s32 $0x1, v39  }
0x86: {  	v63 =	vld [tilespmem:$0x24];
	v54 =	vmin.u32 v53, $0x3;
	v37 =	vnsel vm5, $0xFFFFFFFF, v49;
	v39 =	vmul.u32 v55, v39  }
0x87: {  	v40 =	vadd.s32 $0x1, v40;
	v53 =	vperm.xlane v46, v3;
	v36 =	vor.u32 v12, v54  }
0x88: {  	v40 =	vmul.u32 v48, v40;
	v54 =	vperm.xlane v46, v2;
	v56 =	vperm.xlane v47, v36  }
0x89: {  	v36 =	vsel vm6, v41, v37;
	vm5 =	vgt.s32 v39, $0x0;
	vm6 =	vgt.s32 v38, v17  }
0x8a: {  	v55 =	vadd.s32 $0x1, v53;
	v62 =	vnsel vm5, $0x0, v39;
	vm5 =	veq.s32 v38, v17  }
0x8b: {  	v59 =	vld [tilespmem:$0xA4];
	v45 =	vnsel vm6, $0xFFFFFFFF, v45;
	v40 =	vadd.s32 $0x1, v40;
	v43 =	vperm.xlane v63, v32  }
0x8c: {  	v57 =	vld [tilespmem:$0x180];
	v41 =	vmul.u32 v54, v55;
	vm6 =	vgt.s32 v39, v23;
	v47 =	vmin.u32 v62, $0x3  }
0x8d: {  	v37 =	vsel vm2, v56, v58;
	v40 =	vmul.u32 v52, v40;
	v51 =	vor.u32 v18, v47;
	v47 =	vld [tilespmem:$0x14C]  }
0x8e: {  	v58 =	vperm.xlane v46, v1;
	v46 =	vperm.xlane v46, v0;
	v37 =	vsel vm5, v37, v45  }
0x8f: {  	v56 =	vld [tilespmem:$0xB0];
	vm5 =	veq.s32 v39, v23;
	v43 =	vnsel vm6, $0xFFFFFFFF, v43;
	v41 =	vadd.s32 $0x1, v41  }
0x90: {  	v52 =	vld [tilespmem:$0x190];
	v38 =	vperm.xlane v59, v51;
	vm7 =	vgt.s32 v40, $0x0;
	v41 =	vmul.u32 v58, v41  }
0x91: {  	v62 =	vld [tilespmem:$0x40];
	v39 =	vperm.xlane v57, v28;
	vm6 =	veq.s32 v40, v34;
	v60 =	vnsel vm7, $0x0, v40  }
0x92: {  	v38 =	vsel vm3, v38, v44;
	v41 =	vadd.s32 $0x1, v41;
	v61 =	vperm.xlane v47, v9  }
0x93: {  	v59 =	vld [tilespmem:$0x30];
	v48 =	vmin.u32 v60, $0x3;
	v41 =	vmul.u32 v46, v41;
	v49 =	vperm.xlane v47, v8  }
0x94: {  	v50 =	vld [tilespmem:$0xC0];
	v48 =	vor.u32 v24, v48;
	v38 =	vsel vm5, v38, v43;
	v44 =	vadd.s32 $0x1, v61  }
0x95: {  	v58 =	vld [tilespmem:$0x4C];
	v45 =	vperm.xlane v52, v29;
	vm5 =	vgt.s32 v41, $0x0;
	v44 =	vmul.u32 v49, v44  }
0x96: {  	v60 =	vperm.xlane v62, v4;
	v42 =	vperm.xlane v56, v48;
	v55 =	vnsel vm5, $0x0, v41;
	v61 =	vld [tilespmem:$0x190]  }
0x97: {  	v53 =	vperm.xlane v47, v7;
	v56 =	vmin.u32 v55, $0x3;
	v54 =	vadd.s32 $0x1, v44;
	v44 =	vld [tilespmem:$0x158]  }
0x98: {  	v63 =	vperm.xlane v59, v33;
	vm5 =	vgt.s32 v40, v34;
	v40 =	vor.u32 v0, v56  }
0x99: {  	v39 =	vsel vm4, v39, v42;
	v40 =	vperm.xlane v50, v40;
	v50 =	vld [tilespmem:$0x164];
	v42 =	vmul.u32 v53, v54  }
0x9a: {  	v57 =	vperm.xlane v47, v6;
	v47 =	vperm.xlane v58, v30;
	v43 =	vnsel vm5, $0xFFFFFFFF, v63  }
0x9b: {  	vm5 =	veq.s32 v41, v5;
	v39 =	vsel vm6, v39, v43;
	v42 =	vadd.s32 $0x1, v42  }
0x9c: {  	v46 =	vperm.xlane v61, v10;
	v42 =	vmul.u32 v57, v42;
	v62 =	vperm.xlane v44, v15  }
0x9d: {  	v59 =	vld [tilespmem:$0xCC];
	v40 =	vsel vm0, v40, v45;
	v63 =	vperm.xlane v44, v14;
	v55 =	vperm.xlane v44, v13  }
0x9e: {  	v56 =	vperm.xlane v50, v21;
	v44 =	vperm.xlane v44, v12;
	vm6 =	vgt.s32 v42, $0x0  }
0x9f: {  	v57 =	vperm.xlane v50, v20;
	v51 =	vnsel vm6, $0x0, v42;
	v48 =	vadd.s32 $0x1, v62  }
0xa0: {  	v61 =	vperm.xlane v50, v19;
	v54 =	vmin.u32 v51, $0x3;
	v45 =	vmul.u32 v63, v48;
	v48 =	vld [tilespmem:$0x170]  }
0xa1: {  	vm6 =	vgt.s32 v41, v5;
	v49 =	vadd.s32 $0x1, v56;
	v41 =	vor.u32 v6, v54  }
0xa2: {  	v43 =	vnsel vm6, $0xFFFFFFFF, v60;
	v41 =	vperm.xlane v59, v41;
	v45 =	vadd.s32 $0x1, v45  }
0xa3: {  	v62 =	vld [tilespmem:$0x190];
	vm6 =	veq.s32 v42, v11;
	v54 =	vperm.xlane v50, v18;
	v45 =	vmul.u32 v55, v45  }
0xa4: {  	v40 =	vsel vm5, v40, v43;
	v59 =	vmul.u32 v57, v49;
	v41 =	vsel vm1, v41, v46  }
0xa5: {  	v45 =	vadd.s32 $0x1, v45;
	v58 =	vperm.xlane v48, v27;
	v60 =	vperm.xlane v48, v26  }
0xa6: {  	v49 =	vld [tilespmem:$0x58];
	v63 =	vperm.xlane v48, v25;
	v44 =	vmul.u32 v44, v45;
	v45 =	vadd.s32 $0x1, v59  }
0xa7: {  	v48 =	vperm.xlane v48, v24;
	v51 =	vadd.s32 $0x1, v58;
	v45 =	vmul.u32 v61, v45  }
0xa8: {  	v52 =	vld [tilespmem:$0xD8];
	vm7 =	vgt.s32 v44, $0x0;
	v46 =	vmul.u32 v60, v51;
	v51 =	vperm.xlane v62, v16  }
0xa9: {  	v56 =	vld [tilespmem:$0xE4];
	v53 =	vnsel vm7, $0x0, v44;
	vm7 =	vgt.s32 v42, v11;
	v45 =	vadd.s32 $0x1, v45  }
0xaa: {  	v59 =	vld [tilespmem:$0x70];
	v46 =	vadd.s32 $0x1, v46;
	v55 =	vmin.u32 v53, $0x3;
	v42 =	vmul.u32 v54, v45  }
0xab: {  	v45 =	vld [tilespmem:$0x64];
	v47 =	vnsel vm7, $0xFFFFFFFF, v47;
	v54 =	vperm.xlane v49, v31;
	v46 =	vmul.u32 v63, v46  }
0xac: {  	v57 =	vld [tilespmem:$0x190];
	v50 =	vor.u32 v12, v55;
	v41 =	vsel vm6, v41, v47;
	vm7 =	vgt.s32 v42, $0x0  }
0xad: {  	v50 =	vperm.xlane v52, v50;
	v46 =	vadd.s32 $0x1, v46;
	v58 =	vnsel vm7, $0x0, v42  }
0xae: {  	v60 =	vld [tilespmem:$0xF0];
	vm6 =	veq.s32 v44, v17;
	v46 =	vmul.u32 v48, v46;
	v43 =	vmin.u32 v58, $0x3  }
0xaf: {  	[tilespmem:$0x200] =	vst v35;
	v62 =	vld [tilespmem:$0x190];
	v59 =	vperm.xlane v59, v33;
	v48 =	vsel vm2, v50, v51;
	v61 =	vor.u32 v18, v43  }
0xb0: {  	[tilespmem:$0x210] =	vst v36;
	v55 =	vperm.xlane v45, v32;
	vm5 =	vgt.s32 v46, $0x0;
	v35 =	vperm.xlane v56, v61  }
0xb1: {  	[tilespmem:$0x220] =	vst v37;
	v56 =	vperm.xlane v57, v22;
	v63 =	vnsel vm5, $0x0, v46;
	vm5 =	vgt.s32 v44, v17  }
0xb2: {  	[tilespmem:$0x230] =	vst v38;
	v57 =	vmin.u32 v63, $0x3;
	v36 =	vnsel vm5, $0xFFFFFFFF, v54;
	vm5 =	vgt.s32 v42, v23  }
0xb3: {  	[tilespmem:$0x240] =	vst v39;
	v35 =	vsel vm3, v35, v56;
	v58 =	vor.u32 v24, v57;
	v37 =	vnsel vm5, $0xFFFFFFFF, v55  }
0xb4: {  	[tilespmem:$0x250] =	vst v40;
	vm5 =	veq.s32 v42, v23;
	v38 =	vperm.xlane v60, v58;
	v60 =	vperm.xlane v62, v28  }
0xb5: {  	[tilespmem:$0x260] =	vst v41;
	v36 =	vsel vm6, v48, v36;
	v35 =	vsel vm5, v35, v37;
	vm5 =	vgt.s32 v46, v34  }
0xb6: {  	vm6 =	veq.s32 v46, v34;
	[tilespmem:$0x270] =	vst v36;
	v62 =	vnsel vm5, $0xFFFFFFFF, v59;
	v61 =	vsel vm4, v60, v38  }
0xb7: {  	p0 =	sne.s32 s7, $0x1;
	[tilespmem:$0x280] =	vst v35;
	v63 =	vsel vm6, v61, v62  }
.Ltmp1:
0xb8: {  	[tilespmem:$0x290] =	vst v63;
	(pc) =	sbr.rel @p0 .LBB2_2-.Ltmp1, $4  }
0xb9: {  	[hbm4b:s4+s8] =	stream.linear.scatter [tilespmem:s13], [sflag:$0x1], $0x100, $0x38;
	[tilespmem:$0x300] =	vst v63  }
0xba: {  	_ =	swait.ge [sflag:s10], $0x100  }
0xbb: {  	[sflag:s10] =	ssyncset.done $0x0  }
0xbc: {  	s7 =	sadd.s32 $0xFFFFFFFF, s7;
	[sflag:s10] =	ssyncadd.s32 $0xFFFFFF00  }
.LBB2_3:
0xbd: {  	_ =	sfence.sel $0x180000  }
0xbe: {  	[bflag:$0x0] =	sbarrier.arrive $0xFFFF  }
0xbf: {  	p0 =	sne.s32 s0, $0x0;
	_ =	strace $0x90000047  }
0xc0: {  	s0 =	sadd.s32 @!p0 $0x100000, s2;
	[bflag:$0x2] =	sbarrier.arrive $0xFFFF  }
0xc1: {  	[sflag:s0] =	ssyncadd.tile.s32 @!p0 $0x1;
	_ =	shalt  }
.Lfunc_end2:
_tile_overlayer_lowered:
.L_overlay_start_2:
0xc2: {  	(tag) =	ssettag $0x2  }
0xc3: {  	s0 =	rddreg [dreg:$0x0];
	s2 =	stileid.u32  }
0xc4: {  	s1 =	rddreg [dreg:$0x1];
	p0 =	sne.s32 s2, $0x0  }
0xc5: {  	s3 =	rddreg [dreg:$0x2];
	[bflag:$0x3] =	sbarrier.arrive $0xFFFF;
	s2 =	simm.s32 @!p0 $0x1C01  }
0xc6: {  	[timem:s3], [sflag:s2] =	dma.local @!p0 [hbm:s0], s1  }
0xc7: {  	s0 =	simm.s32 @!p0 $0x1  }
0xc8: {  	_ =	swait.ge @!p0 [sflag:s0], s1  }
0xc9: {  	s1 =	ssub.s32 @!p0 $0x0, s1;
	[sflag:s0] =	ssyncset.done @!p0 $0x0  }
0xca: {  	[sflag:s0] =	ssyncadd.s32 @!p0 s1  }
0xcb: {  	[bflag:$0x3] =	sbarrier.arrive $0xFFFF  }
0xcc: {  	_ =	shalt  }

</sc_bundles>
